<compile_context>
chip_gen: v7x
topology: tpu7x:2x2x1
jax: 0.10.2.dev20260603
libtpu: 0.0.44.dev20260713+nightly
codegen_flags: <defaults>
</compile_context>

<pallas_src>
import functools

import jax
import jax.numpy as jnp
from jax import lax
from jax.experimental import pallas as pl
from jax.experimental.pallas import tpu as pltpu
from jax.experimental.pallas import tpu_sc as plsc

_BUCKETS = 100000
_D = 64
_NC = 2
_NS = 16
_NW = _NC * _NS
_CHUNK = 128
_K = 4
_GK = _K * _CHUNK


@functools.partial(jax.jit, static_argnames=("n_total",))
def _sc_gather(ids, table, n_total):
    b_per_w = n_total // _NW
    n_groups = b_per_w // _GK
    mesh = plsc.VectorSubcoreMesh(core_axis_name="c", subcore_axis_name="s")

    @functools.partial(
        pl.kernel,
        out_type=jax.ShapeDtypeStruct((n_total, _D), jnp.float32),
        mesh=mesh,
        scratch_types=[
            pltpu.VMEM((b_per_w,), jnp.int32),
            pltpu.VMEM((_GK, _D), jnp.float32),
            pltpu.VMEM((_GK, _D), jnp.float32),
            pltpu.SemaphoreType.DMA,
            pltpu.SemaphoreType.DMA,
            pltpu.SemaphoreType.DMA,
            pltpu.SemaphoreType.DMA,
        ],
        compiler_params=pltpu.CompilerParams(use_tc_tiling_on_sc=False),
    )
    def k(ids_hbm, table_hbm, out_hbm, idx_v, rows0, rows1,
          gsem0, gsem1, osem0, osem1):
        rows = (rows0, rows1)
        gsem = (gsem0, gsem1)
        osem = (osem0, osem1)

        wid = lax.axis_index("s") * _NC + lax.axis_index("c")
        base = wid * b_per_w

        pltpu.sync_copy(ids_hbm.at[pl.ds(base, b_per_w)], idx_v)

        @pl.loop(0, b_per_w // 16, step=8)
        def _mod(i):
            for j in range(8):
                sl = pl.ds((i + j) * 16, 16)
                x = idx_v[sl]
                for c in (8 * _BUCKETS, 4 * _BUCKETS, 2 * _BUCKETS, _BUCKETS):
                    x = jnp.where(x >= c, x - c, x)
                idx_v[sl] = x

        def gather_descs(g, b):
            return [
                pltpu.make_async_copy(
                    table_hbm.at[idx_v.at[pl.ds(g * _GK + j * _CHUNK, _CHUNK)]],
                    rows[b].at[pl.ds(j * _CHUNK, _CHUNK)],
                    gsem[b],
                )
                for j in range(_K)
            ]

        def out_desc(g, b):
            return pltpu.make_async_copy(
                rows[b], out_hbm.at[pl.ds(base + g * _GK, _GK)], osem[b])

        def fire(g, b):
            for d in gather_descs(g, b):
                d.start()

        fire(0, 0)

        @pl.loop(0, n_groups, step=2)
        def _main(g0):
            for b in range(2):
                g = g0 + b

                @pl.when(g + 1 < n_groups)
                def _fire_next():
                    @pl.when(g >= 1)
                    def _wait_prev_out():
                        out_desc(g - 1, 1 - b).wait()
                    fire(g + 1, 1 - b)

                for d in gather_descs(g, b):
                    d.wait()
                out_desc(g, b).start()

        out_desc(n_groups - 2, 0).wait()
        out_desc(n_groups - 1, 1).wait()

    return k(ids, table)


def kernel(token_ids, bucket_embeddings):
    b, s = token_ids.shape
    n_total = b * s
    ids = token_ids.reshape(n_total).astype(jnp.int32)
    out = _sc_gather(ids, bucket_embeddings, n_total)
    return out.reshape(b, s, _D)

# --- scband reference (transcript-rebuilt; emitter-appended) ---
"""Pipeline reference for scband-hash-trick-embedding-46136538693903 (READ-ONLY COPY).

The authoritative reference and input builder live on the scoring server;
editing this copy changes nothing except your own understanding.
"""

import jax, jax.numpy as jnp
import numpy as np

NUM_BUCKETS = 100000
EMBEDDING_DIM = 64

def setup_inputs(seed: int = 0) -> dict:
    key = jax.random.key(seed)
    k1, k2 = jax.random.split(key)
    token_ids = jax.random.randint(k1, (4096, 200), 0, 1000000, dtype=jnp.int64)
    bucket_embeddings = jax.random.normal(k2, (NUM_BUCKETS, EMBEDDING_DIM), dtype=jnp.float32)
    return {"token_ids": token_ids, "bucket_embeddings": bucket_embeddings}

def reference(token_ids, bucket_embeddings):
    hashed_ids = token_ids % NUM_BUCKETS
    embeddings = jnp.take(bucket_embeddings, hashed_ids, axis=0)
    return embeddings

if __name__ == "__main__":
    import jax
    _d = setup_inputs()
    print(jax.jit(kernel)(*tuple(_d.values())))

</pallas_src>

<mosaic_0001>
#map = affine_map<(d0, d1) -> (0)>
#map1 = affine_map<(d0, d1) -> (0, 0)>
module attributes {stable_mosaic.version = 14 : i64} {
  func.func @k(%arg0: i32, %arg1: i32, %arg2: memref<819200xi32, #tpu.memory_space<hbm>>, %arg3: memref<100000x64xf32, #tpu.memory_space<hbm>>, %arg4: memref<819200x64xf32, #tpu.memory_space<hbm>>, %arg5: memref<25600xi32, #tpu.memory_space<vmem>>, %arg6: memref<512x64xf32, #tpu.memory_space<vmem>>, %arg7: memref<512x64xf32, #tpu.memory_space<vmem>>, %arg8: memref<!tpu.dma_semaphore, #tpu.memory_space<semaphore_mem>>, %arg9: memref<!tpu.dma_semaphore, #tpu.memory_space<semaphore_mem>>, %arg10: memref<!tpu.dma_semaphore, #tpu.memory_space<semaphore_mem>>, %arg11: memref<!tpu.dma_semaphore, #tpu.memory_space<semaphore_mem>>) attributes {dimension_semantics = [#tpu.dimension_semantics<core_parallel>, #tpu.dimension_semantics<subcore_parallel>], iteration_bounds = array<i64: 2, 16>, scalar_prefetch = 0 : i64, scratch_operands = 7 : i64, tpu.core_type = #tpu.core_type<sc_vector_subcore>, window_params = [{transform_indices = #map}, {transform_indices = #map1}, {transform_indices = #map1}]} {
    %mul3A = arith.constant 2 : i32
    %mul3A_0 = arith.muli %arg1, %mul3A : i32
    %add3A = arith.addi %mul3A_0, %arg0 : i32
    %mul3A_1 = arith.constant 25600 : i32
    %mul3A_2 = arith.muli %add3A, %mul3A_1 : i32
    "tpu.region"() ({
      %run_scoped3A = tpu.sem_alloc : memref<!tpu.dma_semaphore, #tpu.memory_space<semaphore_mem>>
      %dma_start3A_54 = tpu.memref_slice %arg2[%mul3A_2] : memref<819200xi32, #tpu.memory_space<hbm>> -> memref<25600xi32, #tpu.memory_space<hbm>>
      %dma_start3A_55 = tpu.memref_slice %arg2[%mul3A_2] : memref<819200xi32, #tpu.memory_space<hbm>> -> memref<25600xi32, #tpu.memory_space<hbm>>
      tpu.enqueue_dma source(%dma_start3A_55 : memref<25600xi32, #tpu.memory_space<hbm>>) target(%arg5 : memref<25600xi32, #tpu.memory_space<vmem>>) target_semaphore(%run_scoped3A : memref<!tpu.dma_semaphore, #tpu.memory_space<semaphore_mem>>)
      %dma_wait3A_56 = tpu.memref_slice %arg2[%mul3A_2] : memref<819200xi32, #tpu.memory_space<hbm>> -> memref<25600xi32, #tpu.memory_space<hbm>>
      %dma_wait3A_57 = tpu.memref_slice %arg2[%mul3A_2] : memref<819200xi32, #tpu.memory_space<hbm>> -> memref<25600xi32, #tpu.memory_space<hbm>>
      tpu.wait_dma2 semaphore(%run_scoped3A : memref<!tpu.dma_semaphore, #tpu.memory_space<semaphore_mem>>) src(%dma_wait3A_57 : memref<25600xi32, #tpu.memory_space<hbm>>) dst(%arg5 : memref<25600xi32, #tpu.memory_space<vmem>>)
      tpu.yield
    }) : () -> ()
    %scan3A = arith.constant 0 : i32
    %scan3A_3 = arith.constant 200 : i32
    %scan3A_4 = arith.addi %scan3A, %scan3A_3 : i32
    %scan3A_5 = arith.constant 1 : i32
    scf.for %scan3A_54 = %scan3A to %scan3A_4 step %scan3A_5  : i32 {
      %mul3A_55 = arith.constant 8 : i32
      %mul3A_56 = arith.muli %scan3A_54, %mul3A_55 : i32
      %add3A_57 = arith.constant 0 : i32
      %add3A_58 = arith.addi %add3A_57, %mul3A_56 : i32
      %add3A_59 = arith.constant 0 : i32
      %add3A_60 = arith.addi %add3A_58, %add3A_59 : i32
      %mul3A_61 = arith.constant 16 : i32
      %mul3A_62 = arith.muli %add3A_60, %mul3A_61 : i32
      %get3A = arith.index_cast %mul3A_62 : i32 to index
      %get3A_63 = tpu.vector_load %arg5[%get3A] {strides = array<i32>} : memref<25600xi32, #tpu.memory_space<vmem>>, vector<16xi32>,
      %get3A_64 = vector.shape_cast %get3A_63 : vector<16xi32> to vector<16xi32>
      %ge3A = arith.constant 800000 : i32
      %ge3A_65 = vector.broadcast %ge3A : i32 to vector<16xi32>
      %ge3A_66 = arith.cmpi sge, %get3A_64, %ge3A_65 : vector<16xi32>
      %sub3A = arith.constant 800000 : i32
      %sub3A_67 = vector.broadcast %sub3A : i32 to vector<16xi32>
      %sub3A_68 = arith.subi %get3A_64, %sub3A_67 : vector<16xi32>
      %select_n3A = arith.select %ge3A_66, %sub3A_68, %get3A_64 : vector<16xi1>, vector<16xi32>
      %ge3A_69 = arith.constant 400000 : i32
      %ge3A_70 = vector.broadcast %ge3A_69 : i32 to vector<16xi32>
      %ge3A_71 = arith.cmpi sge, %select_n3A, %ge3A_70 : vector<16xi32>
      %sub3A_72 = arith.constant 400000 : i32
      %sub3A_73 = vector.broadcast %sub3A_72 : i32 to vector<16xi32>
      %sub3A_74 = arith.subi %select_n3A, %sub3A_73 : vector<16xi32>
      %select_n3A_75 = arith.select %ge3A_71, %sub3A_74, %select_n3A : vector<16xi1>, vector<16xi32>
      %ge3A_76 = arith.constant 200000 : i32
      %ge3A_77 = vector.broadcast %ge3A_76 : i32 to vector<16xi32>
      %ge3A_78 = arith.cmpi sge, %select_n3A_75, %ge3A_77 : vector<16xi32>
      %sub3A_79 = arith.constant 200000 : i32
      %sub3A_80 = vector.broadcast %sub3A_79 : i32 to vector<16xi32>
      %sub3A_81 = arith.subi %select_n3A_75, %sub3A_80 : vector<16xi32>
      %select_n3A_82 = arith.select %ge3A_78, %sub3A_81, %select_n3A_75 : vector<16xi1>, vector<16xi32>
      %ge3A_83 = arith.constant 100000 : i32
      %ge3A_84 = vector.broadcast %ge3A_83 : i32 to vector<16xi32>
      %ge3A_85 = arith.cmpi sge, %select_n3A_82, %ge3A_84 : vector<16xi32>
      %sub3A_86 = arith.constant 100000 : i32
      %sub3A_87 = vector.broadcast %sub3A_86 : i32 to vector<16xi32>
      %sub3A_88 = arith.subi %select_n3A_82, %sub3A_87 : vector<16xi32>
      %select_n3A_89 = arith.select %ge3A_85, %sub3A_88, %select_n3A_82 : vector<16xi1>, vector<16xi32>
      %swap3A = arith.index_cast %mul3A_62 : i32 to index
      %swap3A_90 = tpu.vector_load %arg5[%swap3A] {strides = array<i32>} : memref<25600xi32, #tpu.memory_space<vmem>>, vector<16xi32>,
      %swap3A_91 = vector.shape_cast %swap3A_90 : vector<16xi32> to vector<16xi32>
      %swap3A_92 = vector.shape_cast %select_n3A_89 : vector<16xi32> to vector<16xi32>
      tpu.vector_store %arg5[%swap3A], %swap3A_92 {strides = array<i32>} : memref<25600xi32, #tpu.memory_space<vmem>>, vector<16xi32>,
      %add3A_93 = arith.constant 1 : i32
      %add3A_94 = arith.addi %add3A_58, %add3A_93 : i32
      %mul3A_95 = arith.constant 16 : i32
      %mul3A_96 = arith.muli %add3A_94, %mul3A_95 : i32
      %get3A_97 = arith.index_cast %mul3A_96 : i32 to index
      %get3A_98 = tpu.vector_load %arg5[%get3A_97] {strides = array<i32>} : memref<25600xi32, #tpu.memory_space<vmem>>, vector<16xi32>,
      %get3A_99 = vector.shape_cast %get3A_98 : vector<16xi32> to vector<16xi32>
      %ge3A_100 = arith.constant 800000 : i32
      %ge3A_101 = vector.broadcast %ge3A_100 : i32 to vector<16xi32>
      %ge3A_102 = arith.cmpi sge, %get3A_99, %ge3A_101 : vector<16xi32>
      %sub3A_103 = arith.constant 800000 : i32
      %sub3A_104 = vector.broadcast %sub3A_103 : i32 to vector<16xi32>
      %sub3A_105 = arith.subi %get3A_99, %sub3A_104 : vector<16xi32>
      %select_n3A_106 = arith.select %ge3A_102, %sub3A_105, %get3A_99 : vector<16xi1>, vector<16xi32>
      %ge3A_107 = arith.constant 400000 : i32
      %ge3A_108 = vector.broadcast %ge3A_107 : i32 to vector<16xi32>
      %ge3A_109 = arith.cmpi sge, %select_n3A_106, %ge3A_108 : vector<16xi32>
      %sub3A_110 = arith.constant 400000 : i32
      %sub3A_111 = vector.broadcast %sub3A_110 : i32 to vector<16xi32>
      %sub3A_112 = arith.subi %select_n3A_106, %sub3A_111 : vector<16xi32>
      %select_n3A_113 = arith.select %ge3A_109, %sub3A_112, %select_n3A_106 : vector<16xi1>, vector<16xi32>
      %ge3A_114 = arith.constant 200000 : i32
      %ge3A_115 = vector.broadcast %ge3A_114 : i32 to vector<16xi32>
      %ge3A_116 = arith.cmpi sge, %select_n3A_113, %ge3A_115 : vector<16xi32>
      %sub3A_117 = arith.constant 200000 : i32
      %sub3A_118 = vector.broadcast %sub3A_117 : i32 to vector<16xi32>
      %sub3A_119 = arith.subi %select_n3A_113, %sub3A_118 : vector<16xi32>
      %select_n3A_120 = arith.select %ge3A_116, %sub3A_119, %select_n3A_113 : vector<16xi1>, vector<16xi32>
      %ge3A_121 = arith.constant 100000 : i32
      %ge3A_122 = vector.broadcast %ge3A_121 : i32 to vector<16xi32>
      %ge3A_123 = arith.cmpi sge, %select_n3A_120, %ge3A_122 : vector<16xi32>
      %sub3A_124 = arith.constant 100000 : i32
      %sub3A_125 = vector.broadcast %sub3A_124 : i32 to vector<16xi32>
      %sub3A_126 = arith.subi %select_n3A_120, %sub3A_125 : vector<16xi32>
      %select_n3A_127 = arith.select %ge3A_123, %sub3A_126, %select_n3A_120 : vector<16xi1>, vector<16xi32>
      %swap3A_128 = arith.index_cast %mul3A_96 : i32 to index
      %swap3A_129 = tpu.vector_load %arg5[%swap3A_128] {strides = array<i32>} : memref<25600xi32, #tpu.memory_space<vmem>>, vector<16xi32>,
      %swap3A_130 = vector.shape_cast %swap3A_129 : vector<16xi32> to vector<16xi32>
      %swap3A_131 = vector.shape_cast %select_n3A_127 : vector<16xi32> to vector<16xi32>
      tpu.vector_store %arg5[%swap3A_128], %swap3A_131 {strides = array<i32>} : memref<25600xi32, #tpu.memory_space<vmem>>, vector<16xi32>,
      %add3A_132 = arith.constant 2 : i32
      %add3A_133 = arith.addi %add3A_58, %add3A_132 : i32
      %mul3A_134 = arith.constant 16 : i32
      %mul3A_135 = arith.muli %add3A_133, %mul3A_134 : i32
      %get3A_136 = arith.index_cast %mul3A_135 : i32 to index
      %get3A_137 = tpu.vector_load %arg5[%get3A_136] {strides = array<i32>} : memref<25600xi32, #tpu.memory_space<vmem>>, vector<16xi32>,
      %get3A_138 = vector.shape_cast %get3A_137 : vector<16xi32> to vector<16xi32>
      %ge3A_139 = arith.constant 800000 : i32
      %ge3A_140 = vector.broadcast %ge3A_139 : i32 to vector<16xi32>
      %ge3A_141 = arith.cmpi sge, %get3A_138, %ge3A_140 : vector<16xi32>
      %sub3A_142 = arith.constant 800000 : i32
      %sub3A_143 = vector.broadcast %sub3A_142 : i32 to vector<16xi32>
      %sub3A_144 = arith.subi %get3A_138, %sub3A_143 : vector<16xi32>
      %select_n3A_145 = arith.select %ge3A_141, %sub3A_144, %get3A_138 : vector<16xi1>, vector<16xi32>
      %ge3A_146 = arith.constant 400000 : i32
      %ge3A_147 = vector.broadcast %ge3A_146 : i32 to vector<16xi32>
      %ge3A_148 = arith.cmpi sge, %select_n3A_145, %ge3A_147 : vector<16xi32>
      %sub3A_149 = arith.constant 400000 : i32
      %sub3A_150 = vector.broadcast %sub3A_149 : i32 to vector<16xi32>
      %sub3A_151 = arith.subi %select_n3A_145, %sub3A_150 : vector<16xi32>
      %select_n3A_152 = arith.select %ge3A_148, %sub3A_151, %select_n3A_145 : vector<16xi1>, vector<16xi32>
      %ge3A_153 = arith.constant 200000 : i32
      %ge3A_154 = vector.broadcast %ge3A_153 : i32 to vector<16xi32>
      %ge3A_155 = arith.cmpi sge, %select_n3A_152, %ge3A_154 : vector<16xi32>
      %sub3A_156 = arith.constant 200000 : i32
      %sub3A_157 = vector.broadcast %sub3A_156 : i32 to vector<16xi32>
      %sub3A_158 = arith.subi %select_n3A_152, %sub3A_157 : vector<16xi32>
      %select_n3A_159 = arith.select %ge3A_155, %sub3A_158, %select_n3A_152 : vector<16xi1>, vector<16xi32>
      %ge3A_160 = arith.constant 100000 : i32
      %ge3A_161 = vector.broadcast %ge3A_160 : i32 to vector<16xi32>
      %ge3A_162 = arith.cmpi sge, %select_n3A_159, %ge3A_161 : vector<16xi32>
      %sub3A_163 = arith.constant 100000 : i32
      %sub3A_164 = vector.broadcast %sub3A_163 : i32 to vector<16xi32>
      %sub3A_165 = arith.subi %select_n3A_159, %sub3A_164 : vector<16xi32>
      %select_n3A_166 = arith.select %ge3A_162, %sub3A_165, %select_n3A_159 : vector<16xi1>, vector<16xi32>
      %swap3A_167 = arith.index_cast %mul3A_135 : i32 to index
      %swap3A_168 = tpu.vector_load %arg5[%swap3A_167] {strides = array<i32>} : memref<25600xi32, #tpu.memory_space<vmem>>, vector<16xi32>,
      %swap3A_169 = vector.shape_cast %swap3A_168 : vector<16xi32> to vector<16xi32>
      %swap3A_170 = vector.shape_cast %select_n3A_166 : vector<16xi32> to vector<16xi32>
      tpu.vector_store %arg5[%swap3A_167], %swap3A_170 {strides = array<i32>} : memref<25600xi32, #tpu.memory_space<vmem>>, vector<16xi32>,
      %add3A_171 = arith.constant 3 : i32
      %add3A_172 = arith.addi %add3A_58, %add3A_171 : i32
      %mul3A_173 = arith.constant 16 : i32
      %mul3A_174 = arith.muli %add3A_172, %mul3A_173 : i32
      %get3A_175 = arith.index_cast %mul3A_174 : i32 to index
      %get3A_176 = tpu.vector_load %arg5[%get3A_175] {strides = array<i32>} : memref<25600xi32, #tpu.memory_space<vmem>>, vector<16xi32>,
      %get3A_177 = vector.shape_cast %get3A_176 : vector<16xi32> to vector<16xi32>
      %ge3A_178 = arith.constant 800000 : i32
      %ge3A_179 = vector.broadcast %ge3A_178 : i32 to vector<16xi32>
      %ge3A_180 = arith.cmpi sge, %get3A_177, %ge3A_179 : vector<16xi32>
      %sub3A_181 = arith.constant 800000 : i32
      %sub3A_182 = vector.broadcast %sub3A_181 : i32 to vector<16xi32>
      %sub3A_183 = arith.subi %get3A_177, %sub3A_182 : vector<16xi32>
      %select_n3A_184 = arith.select %ge3A_180, %sub3A_183, %get3A_177 : vector<16xi1>, vector<16xi32>
      %ge3A_185 = arith.constant 400000 : i32
      %ge3A_186 = vector.broadcast %ge3A_185 : i32 to vector<16xi32>
      %ge3A_187 = arith.cmpi sge, %select_n3A_184, %ge3A_186 : vector<16xi32>
      %sub3A_188 = arith.constant 400000 : i32
      %sub3A_189 = vector.broadcast %sub3A_188 : i32 to vector<16xi32>
      %sub3A_190 = arith.subi %select_n3A_184, %sub3A_189 : vector<16xi32>
      %select_n3A_191 = arith.select %ge3A_187, %sub3A_190, %select_n3A_184 : vector<16xi1>, vector<16xi32>
      %ge3A_192 = arith.constant 200000 : i32
      %ge3A_193 = vector.broadcast %ge3A_192 : i32 to vector<16xi32>
      %ge3A_194 = arith.cmpi sge, %select_n3A_191, %ge3A_193 : vector<16xi32>
      %sub3A_195 = arith.constant 200000 : i32
      %sub3A_196 = vector.broadcast %sub3A_195 : i32 to vector<16xi32>
      %sub3A_197 = arith.subi %select_n3A_191, %sub3A_196 : vector<16xi32>
      %select_n3A_198 = arith.select %ge3A_194, %sub3A_197, %select_n3A_191 : vector<16xi1>, vector<16xi32>
      %ge3A_199 = arith.constant 100000 : i32
      %ge3A_200 = vector.broadcast %ge3A_199 : i32 to vector<16xi32>
      %ge3A_201 = arith.cmpi sge, %select_n3A_198, %ge3A_200 : vector<16xi32>
      %sub3A_202 = arith.constant 100000 : i32
      %sub3A_203 = vector.broadcast %sub3A_202 : i32 to vector<16xi32>
      %sub3A_204 = arith.subi %select_n3A_198, %sub3A_203 : vector<16xi32>
      %select_n3A_205 = arith.select %ge3A_201, %sub3A_204, %select_n3A_198 : vector<16xi1>, vector<16xi32>
      %swap3A_206 = arith.index_cast %mul3A_174 : i32 to index
      %swap3A_207 = tpu.vector_load %arg5[%swap3A_206] {strides = array<i32>} : memref<25600xi32, #tpu.memory_space<vmem>>, vector<16xi32>,
      %swap3A_208 = vector.shape_cast %swap3A_207 : vector<16xi32> to vector<16xi32>
      %swap3A_209 = vector.shape_cast %select_n3A_205 : vector<16xi32> to vector<16xi32>
      tpu.vector_store %arg5[%swap3A_206], %swap3A_209 {strides = array<i32>} : memref<25600xi32, #tpu.memory_space<vmem>>, vector<16xi32>,
      %add3A_210 = arith.constant 4 : i32
      %add3A_211 = arith.addi %add3A_58, %add3A_210 : i32
      %mul3A_212 = arith.constant 16 : i32
      %mul3A_213 = arith.muli %add3A_211, %mul3A_212 : i32
      %get3A_214 = arith.index_cast %mul3A_213 : i32 to index
      %get3A_215 = tpu.vector_load %arg5[%get3A_214] {strides = array<i32>} : memref<25600xi32, #tpu.memory_space<vmem>>, vector<16xi32>,
      %get3A_216 = vector.shape_cast %get3A_215 : vector<16xi32> to vector<16xi32>
      %ge3A_217 = arith.constant 800000 : i32
      %ge3A_218 = vector.broadcast %ge3A_217 : i32 to vector<16xi32>
      %ge3A_219 = arith.cmpi sge, %get3A_216, %ge3A_218 : vector<16xi32>
      %sub3A_220 = arith.constant 800000 : i32
      %sub3A_221 = vector.broadcast %sub3A_220 : i32 to vector<16xi32>
      %sub3A_222 = arith.subi %get3A_216, %sub3A_221 : vector<16xi32>
      %select_n3A_223 = arith.select %ge3A_219, %sub3A_222, %get3A_216 : vector<16xi1>, vector<16xi32>
      %ge3A_224 = arith.constant 400000 : i32
      %ge3A_225 = vector.broadcast %ge3A_224 : i32 to vector<16xi32>
      %ge3A_226 = arith.cmpi sge, %select_n3A_223, %ge3A_225 : vector<16xi32>
      %sub3A_227 = arith.constant 400000 : i32
      %sub3A_228 = vector.broadcast %sub3A_227 : i32 to vector<16xi32>
      %sub3A_229 = arith.subi %select_n3A_223, %sub3A_228 : vector<16xi32>
      %select_n3A_230 = arith.select %ge3A_226, %sub3A_229, %select_n3A_223 : vector<16xi1>, vector<16xi32>
      %ge3A_231 = arith.constant 200000 : i32
      %ge3A_232 = vector.broadcast %ge3A_231 : i32 to vector<16xi32>
      %ge3A_233 = arith.cmpi sge, %select_n3A_230, %ge3A_232 : vector<16xi32>
      %sub3A_234 = arith.constant 200000 : i32
      %sub3A_235 = vector.broadcast %sub3A_234 : i32 to vector<16xi32>
      %sub3A_236 = arith.subi %select_n3A_230, %sub3A_235 : vector<16xi32>
      %select_n3A_237 = arith.select %ge3A_233, %sub3A_236, %select_n3A_230 : vector<16xi1>, vector<16xi32>
      %ge3A_238 = arith.constant 100000 : i32
      %ge3A_239 = vector.broadcast %ge3A_238 : i32 to vector<16xi32>
      %ge3A_240 = arith.cmpi sge, %select_n3A_237, %ge3A_239 : vector<16xi32>
      %sub3A_241 = arith.constant 100000 : i32
      %sub3A_242 = vector.broadcast %sub3A_241 : i32 to vector<16xi32>
      %sub3A_243 = arith.subi %select_n3A_237, %sub3A_242 : vector<16xi32>
      %select_n3A_244 = arith.select %ge3A_240, %sub3A_243, %select_n3A_237 : vector<16xi1>, vector<16xi32>
      %swap3A_245 = arith.index_cast %mul3A_213 : i32 to index
      %swap3A_246 = tpu.vector_load %arg5[%swap3A_245] {strides = array<i32>} : memref<25600xi32, #tpu.memory_space<vmem>>, vector<16xi32>,
      %swap3A_247 = vector.shape_cast %swap3A_246 : vector<16xi32> to vector<16xi32>
      %swap3A_248 = vector.shape_cast %select_n3A_244 : vector<16xi32> to vector<16xi32>
      tpu.vector_store %arg5[%swap3A_245], %swap3A_248 {strides = array<i32>} : memref<25600xi32, #tpu.memory_space<vmem>>, vector<16xi32>,
      %add3A_249 = arith.constant 5 : i32
      %add3A_250 = arith.addi %add3A_58, %add3A_249 : i32
      %mul3A_251 = arith.constant 16 : i32
      %mul3A_252 = arith.muli %add3A_250, %mul3A_251 : i32
      %get3A_253 = arith.index_cast %mul3A_252 : i32 to index
      %get3A_254 = tpu.vector_load %arg5[%get3A_253] {strides = array<i32>} : memref<25600xi32, #tpu.memory_space<vmem>>, vector<16xi32>,
      %get3A_255 = vector.shape_cast %get3A_254 : vector<16xi32> to vector<16xi32>
      %ge3A_256 = arith.constant 800000 : i32
      %ge3A_257 = vector.broadcast %ge3A_256 : i32 to vector<16xi32>
      %ge3A_258 = arith.cmpi sge, %get3A_255, %ge3A_257 : vector<16xi32>
      %sub3A_259 = arith.constant 800000 : i32
      %sub3A_260 = vector.broadcast %sub3A_259 : i32 to vector<16xi32>
      %sub3A_261 = arith.subi %get3A_255, %sub3A_260 : vector<16xi32>
      %select_n3A_262 = arith.select %ge3A_258, %sub3A_261, %get3A_255 : vector<16xi1>, vector<16xi32>
      %ge3A_263 = arith.constant 400000 : i32
      %ge3A_264 = vector.broadcast %ge3A_263 : i32 to vector<16xi32>
      %ge3A_265 = arith.cmpi sge, %select_n3A_262, %ge3A_264 : vector<16xi32>
      %sub3A_266 = arith.constant 400000 : i32
      %sub3A_267 = vector.broadcast %sub3A_266 : i32 to vector<16xi32>
      %sub3A_268 = arith.subi %select_n3A_262, %sub3A_267 : vector<16xi32>
      %select_n3A_269 = arith.select %ge3A_265, %sub3A_268, %select_n3A_262 : vector<16xi1>, vector<16xi32>
      %ge3A_270 = arith.constant 200000 : i32
      %ge3A_271 = vector.broadcast %ge3A_270 : i32 to vector<16xi32>
      %ge3A_272 = arith.cmpi sge, %select_n3A_269, %ge3A_271 : vector<16xi32>
      %sub3A_273 = arith.constant 200000 : i32
      %sub3A_274 = vector.broadcast %sub3A_273 : i32 to vector<16xi32>
      %sub3A_275 = arith.subi %select_n3A_269, %sub3A_274 : vector<16xi32>
      %select_n3A_276 = arith.select %ge3A_272, %sub3A_275, %select_n3A_269 : vector<16xi1>, vector<16xi32>
      %ge3A_277 = arith.constant 100000 : i32
      %ge3A_278 = vector.broadcast %ge3A_277 : i32 to vector<16xi32>
      %ge3A_279 = arith.cmpi sge, %select_n3A_276, %ge3A_278 : vector<16xi32>
      %sub3A_280 = arith.constant 100000 : i32
      %sub3A_281 = vector.broadcast %sub3A_280 : i32 to vector<16xi32>
      %sub3A_282 = arith.subi %select_n3A_276, %sub3A_281 : vector<16xi32>
      %select_n3A_283 = arith.select %ge3A_279, %sub3A_282, %select_n3A_276 : vector<16xi1>, vector<16xi32>
      %swap3A_284 = arith.index_cast %mul3A_252 : i32 to index
      %swap3A_285 = tpu.vector_load %arg5[%swap3A_284] {strides = array<i32>} : memref<25600xi32, #tpu.memory_space<vmem>>, vector<16xi32>,
      %swap3A_286 = vector.shape_cast %swap3A_285 : vector<16xi32> to vector<16xi32>
      %swap3A_287 = vector.shape_cast %select_n3A_283 : vector<16xi32> to vector<16xi32>
      tpu.vector_store %arg5[%swap3A_284], %swap3A_287 {strides = array<i32>} : memref<25600xi32, #tpu.memory_space<vmem>>, vector<16xi32>,
      %add3A_288 = arith.constant 6 : i32
      %add3A_289 = arith.addi %add3A_58, %add3A_288 : i32
      %mul3A_290 = arith.constant 16 : i32
      %mul3A_291 = arith.muli %add3A_289, %mul3A_290 : i32
      %get3A_292 = arith.index_cast %mul3A_291 : i32 to index
      %get3A_293 = tpu.vector_load %arg5[%get3A_292] {strides = array<i32>} : memref<25600xi32, #tpu.memory_space<vmem>>, vector<16xi32>,
      %get3A_294 = vector.shape_cast %get3A_293 : vector<16xi32> to vector<16xi32>
      %ge3A_295 = arith.constant 800000 : i32
      %ge3A_296 = vector.broadcast %ge3A_295 : i32 to vector<16xi32>
      %ge3A_297 = arith.cmpi sge, %get3A_294, %ge3A_296 : vector<16xi32>
      %sub3A_298 = arith.constant 800000 : i32
      %sub3A_299 = vector.broadcast %sub3A_298 : i32 to vector<16xi32>
      %sub3A_300 = arith.subi %get3A_294, %sub3A_299 : vector<16xi32>
      %select_n3A_301 = arith.select %ge3A_297, %sub3A_300, %get3A_294 : vector<16xi1>, vector<16xi32>
      %ge3A_302 = arith.constant 400000 : i32
      %ge3A_303 = vector.broadcast %ge3A_302 : i32 to vector<16xi32>
      %ge3A_304 = arith.cmpi sge, %select_n3A_301, %ge3A_303 : vector<16xi32>
      %sub3A_305 = arith.constant 400000 : i32
      %sub3A_306 = vector.broadcast %sub3A_305 : i32 to vector<16xi32>
      %sub3A_307 = arith.subi %select_n3A_301, %sub3A_306 : vector<16xi32>
      %select_n3A_308 = arith.select %ge3A_304, %sub3A_307, %select_n3A_301 : vector<16xi1>, vector<16xi32>
      %ge3A_309 = arith.constant 200000 : i32
      %ge3A_310 = vector.broadcast %ge3A_309 : i32 to vector<16xi32>
      %ge3A_311 = arith.cmpi sge, %select_n3A_308, %ge3A_310 : vector<16xi32>
      %sub3A_312 = arith.constant 200000 : i32
      %sub3A_313 = vector.broadcast %sub3A_312 : i32 to vector<16xi32>
      %sub3A_314 = arith.subi %select_n3A_308, %sub3A_313 : vector<16xi32>
      %select_n3A_315 = arith.select %ge3A_311, %sub3A_314, %select_n3A_308 : vector<16xi1>, vector<16xi32>
      %ge3A_316 = arith.constant 100000 : i32
      %ge3A_317 = vector.broadcast %ge3A_316 : i32 to vector<16xi32>
      %ge3A_318 = arith.cmpi sge, %select_n3A_315, %ge3A_317 : vector<16xi32>
      %sub3A_319 = arith.constant 100000 : i32
      %sub3A_320 = vector.broadcast %sub3A_319 : i32 to vector<16xi32>
      %sub3A_321 = arith.subi %select_n3A_315, %sub3A_320 : vector<16xi32>
      %select_n3A_322 = arith.select %ge3A_318, %sub3A_321, %select_n3A_315 : vector<16xi1>, vector<16xi32>
      %swap3A_323 = arith.index_cast %mul3A_291 : i32 to index
      %swap3A_324 = tpu.vector_load %arg5[%swap3A_323] {strides = array<i32>} : memref<25600xi32, #tpu.memory_space<vmem>>, vector<16xi32>,
      %swap3A_325 = vector.shape_cast %swap3A_324 : vector<16xi32> to vector<16xi32>
      %swap3A_326 = vector.shape_cast %select_n3A_322 : vector<16xi32> to vector<16xi32>
      tpu.vector_store %arg5[%swap3A_323], %swap3A_326 {strides = array<i32>} : memref<25600xi32, #tpu.memory_space<vmem>>, vector<16xi32>,
      %add3A_327 = arith.constant 7 : i32
      %add3A_328 = arith.addi %add3A_58, %add3A_327 : i32
      %mul3A_329 = arith.constant 16 : i32
      %mul3A_330 = arith.muli %add3A_328, %mul3A_329 : i32
      %get3A_331 = arith.index_cast %mul3A_330 : i32 to index
      %get3A_332 = tpu.vector_load %arg5[%get3A_331] {strides = array<i32>} : memref<25600xi32, #tpu.memory_space<vmem>>, vector<16xi32>,
      %get3A_333 = vector.shape_cast %get3A_332 : vector<16xi32> to vector<16xi32>
      %ge3A_334 = arith.constant 800000 : i32
      %ge3A_335 = vector.broadcast %ge3A_334 : i32 to vector<16xi32>
      %ge3A_336 = arith.cmpi sge, %get3A_333, %ge3A_335 : vector<16xi32>
      %sub3A_337 = arith.constant 800000 : i32
      %sub3A_338 = vector.broadcast %sub3A_337 : i32 to vector<16xi32>
      %sub3A_339 = arith.subi %get3A_333, %sub3A_338 : vector<16xi32>
      %select_n3A_340 = arith.select %ge3A_336, %sub3A_339, %get3A_333 : vector<16xi1>, vector<16xi32>
      %ge3A_341 = arith.constant 400000 : i32
      %ge3A_342 = vector.broadcast %ge3A_341 : i32 to vector<16xi32>
      %ge3A_343 = arith.cmpi sge, %select_n3A_340, %ge3A_342 : vector<16xi32>
      %sub3A_344 = arith.constant 400000 : i32
      %sub3A_345 = vector.broadcast %sub3A_344 : i32 to vector<16xi32>
      %sub3A_346 = arith.subi %select_n3A_340, %sub3A_345 : vector<16xi32>
      %select_n3A_347 = arith.select %ge3A_343, %sub3A_346, %select_n3A_340 : vector<16xi1>, vector<16xi32>
      %ge3A_348 = arith.constant 200000 : i32
      %ge3A_349 = vector.broadcast %ge3A_348 : i32 to vector<16xi32>
      %ge3A_350 = arith.cmpi sge, %select_n3A_347, %ge3A_349 : vector<16xi32>
      %sub3A_351 = arith.constant 200000 : i32
      %sub3A_352 = vector.broadcast %sub3A_351 : i32 to vector<16xi32>
      %sub3A_353 = arith.subi %select_n3A_347, %sub3A_352 : vector<16xi32>
      %select_n3A_354 = arith.select %ge3A_350, %sub3A_353, %select_n3A_347 : vector<16xi1>, vector<16xi32>
      %ge3A_355 = arith.constant 100000 : i32
      %ge3A_356 = vector.broadcast %ge3A_355 : i32 to vector<16xi32>
      %ge3A_357 = arith.cmpi sge, %select_n3A_354, %ge3A_356 : vector<16xi32>
      %sub3A_358 = arith.constant 100000 : i32
      %sub3A_359 = vector.broadcast %sub3A_358 : i32 to vector<16xi32>
      %sub3A_360 = arith.subi %select_n3A_354, %sub3A_359 : vector<16xi32>
      %select_n3A_361 = arith.select %ge3A_357, %sub3A_360, %select_n3A_354 : vector<16xi1>, vector<16xi32>
      %swap3A_362 = arith.index_cast %mul3A_330 : i32 to index
      %swap3A_363 = tpu.vector_load %arg5[%swap3A_362] {strides = array<i32>} : memref<25600xi32, #tpu.memory_space<vmem>>, vector<16xi32>,
      %swap3A_364 = vector.shape_cast %swap3A_363 : vector<16xi32> to vector<16xi32>
      %swap3A_365 = vector.shape_cast %select_n3A_361 : vector<16xi32> to vector<16xi32>
      tpu.vector_store %arg5[%swap3A_362], %swap3A_365 {strides = array<i32>} : memref<25600xi32, #tpu.memory_space<vmem>>, vector<16xi32>,
    }
    %scan3A_6 = arith.constant 200 : i32
    %dma_start3A = arith.constant 0 : i32
    %dma_start3A_7 = arith.constant 0 : i32
    %dma_start3A_8 = tpu.memref_slice %arg6[%dma_start3A, %dma_start3A_7] : memref<512x64xf32, #tpu.memory_space<vmem>> -> memref<128x64xf32, #tpu.memory_space<vmem>>
    %dma_start3A_9 = arith.constant 0 : i32
    %dma_start3A_10 = tpu.memref_slice %arg5[%dma_start3A_9] : memref<25600xi32, #tpu.memory_space<vmem>> -> memref<128xi32, #tpu.memory_space<vmem>>
    %dma_start3A_11 = arith.constant 0 : i32
    %dma_start3A_12 = arith.constant 0 : i32
    %dma_start3A_13 = tpu.memref_slice %arg3[%dma_start3A_11, %dma_start3A_12] : memref<100000x64xf32, #tpu.memory_space<hbm>> -> memref<100000x64xf32, #tpu.memory_space<hbm>>
    tpu.enqueue_indirect_dma source(%dma_start3A_13 : memref<100000x64xf32, #tpu.memory_space<hbm>>) target(%dma_start3A_8 : memref<128x64xf32, #tpu.memory_space<vmem>>) offsets(%dma_start3A_10 : memref<128xi32, #tpu.memory_space<vmem>>) semaphore(%arg8 : memref<!tpu.dma_semaphore, #tpu.memory_space<semaphore_mem>>)
    %dma_start3A_14 = arith.constant 128 : i32
    %dma_start3A_15 = arith.constant 0 : i32
    %dma_start3A_16 = tpu.memref_slice %arg6[%dma_start3A_14, %dma_start3A_15] : memref<512x64xf32, #tpu.memory_space<vmem>> -> memref<128x64xf32, #tpu.memory_space<vmem>>
    %dma_start3A_17 = arith.constant 128 : i32
    %dma_start3A_18 = tpu.memref_slice %arg5[%dma_start3A_17] : memref<25600xi32, #tpu.memory_space<vmem>> -> memref<128xi32, #tpu.memory_space<vmem>>
    %dma_start3A_19 = arith.constant 0 : i32
    %dma_start3A_20 = arith.constant 0 : i32
    %dma_start3A_21 = tpu.memref_slice %arg3[%dma_start3A_19, %dma_start3A_20] : memref<100000x64xf32, #tpu.memory_space<hbm>> -> memref<100000x64xf32, #tpu.memory_space<hbm>>
    tpu.enqueue_indirect_dma source(%dma_start3A_21 : memref<100000x64xf32, #tpu.memory_space<hbm>>) target(%dma_start3A_16 : memref<128x64xf32, #tpu.memory_space<vmem>>) offsets(%dma_start3A_18 : memref<128xi32, #tpu.memory_space<vmem>>) semaphore(%arg8 : memref<!tpu.dma_semaphore, #tpu.memory_space<semaphore_mem>>)
    %dma_start3A_22 = arith.constant 256 : i32
    %dma_start3A_23 = arith.constant 0 : i32
    %dma_start3A_24 = tpu.memref_slice %arg6[%dma_start3A_22, %dma_start3A_23] : memref<512x64xf32, #tpu.memory_space<vmem>> -> memref<128x64xf32, #tpu.memory_space<vmem>>
    %dma_start3A_25 = arith.constant 256 : i32
    %dma_start3A_26 = tpu.memref_slice %arg5[%dma_start3A_25] : memref<25600xi32, #tpu.memory_space<vmem>> -> memref<128xi32, #tpu.memory_space<vmem>>
    %dma_start3A_27 = arith.constant 0 : i32
    %dma_start3A_28 = arith.constant 0 : i32
    %dma_start3A_29 = tpu.memref_slice %arg3[%dma_start3A_27, %dma_start3A_28] : memref<100000x64xf32, #tpu.memory_space<hbm>> -> memref<100000x64xf32, #tpu.memory_space<hbm>>
    tpu.enqueue_indirect_dma source(%dma_start3A_29 : memref<100000x64xf32, #tpu.memory_space<hbm>>) target(%dma_start3A_24 : memref<128x64xf32, #tpu.memory_space<vmem>>) offsets(%dma_start3A_26 : memref<128xi32, #tpu.memory_space<vmem>>) semaphore(%arg8 : memref<!tpu.dma_semaphore, #tpu.memory_space<semaphore_mem>>)
    %dma_start3A_30 = arith.constant 384 : i32
    %dma_start3A_31 = arith.constant 0 : i32
    %dma_start3A_32 = tpu.memref_slice %arg6[%dma_start3A_30, %dma_start3A_31] : memref<512x64xf32, #tpu.memory_space<vmem>> -> memref<128x64xf32, #tpu.memory_space<vmem>>
    %dma_start3A_33 = arith.constant 384 : i32
    %dma_start3A_34 = tpu.memref_slice %arg5[%dma_start3A_33] : memref<25600xi32, #tpu.memory_space<vmem>> -> memref<128xi32, #tpu.memory_space<vmem>>
    %dma_start3A_35 = arith.constant 0 : i32
    %dma_start3A_36 = arith.constant 0 : i32
    %dma_start3A_37 = tpu.memref_slice %arg3[%dma_start3A_35, %dma_start3A_36] : memref<100000x64xf32, #tpu.memory_space<hbm>> -> memref<100000x64xf32, #tpu.memory_space<hbm>>
    tpu.enqueue_indirect_dma source(%dma_start3A_37 : memref<100000x64xf32, #tpu.memory_space<hbm>>) target(%dma_start3A_32 : memref<128x64xf32, #tpu.memory_space<vmem>>) offsets(%dma_start3A_34 : memref<128xi32, #tpu.memory_space<vmem>>) semaphore(%arg8 : memref<!tpu.dma_semaphore, #tpu.memory_space<semaphore_mem>>)
    %scan3A_38 = arith.constant 0 : i32
    %scan3A_39 = arith.constant 25 : i32
    %scan3A_40 = arith.addi %scan3A_38, %scan3A_39 : i32
    %scan3A_41 = arith.constant 1 : i32
    scf.for %scan3A_54 = %scan3A_38 to %scan3A_40 step %scan3A_41  : i32 {
      %mul3A_55 = arith.constant 2 : i32
      %mul3A_56 = arith.muli %scan3A_54, %mul3A_55 : i32
      %add3A_57 = arith.constant 0 : i32
      %add3A_58 = arith.addi %add3A_57, %mul3A_56 : i32
      %add3A_59 = arith.constant 0 : i32
      %add3A_60 = arith.addi %add3A_58, %add3A_59 : i32
      %add3A_61 = arith.constant 1 : i32
      %add3A_62 = arith.addi %add3A_60, %add3A_61 : i32
      %lt3A = arith.constant 50 : i32
      %lt3A_63 = arith.cmpi slt, %add3A_62, %lt3A : i32
      %convert_element_type3A = arith.extui %lt3A_63 : i1 to i32
      %cond3A = arith.constant 0 : i32
      %cond3A_64 = arith.cmpi ne, %convert_element_type3A, %cond3A : i32
      scf.if %cond3A_64 {
        %ge3A = arith.constant 1 : i32
        %ge3A_176 = arith.cmpi sge, %add3A_60, %ge3A : i32
        %convert_element_type3A_177 = arith.extui %ge3A_176 : i1 to i32
        %cond3A_178 = arith.constant 0 : i32
        %cond3A_179 = arith.cmpi ne, %convert_element_type3A_177, %cond3A_178 : i32
        scf.if %cond3A_179 {
          %sub3A = arith.constant 1 : i32
          %sub3A_226 = arith.subi %add3A_60, %sub3A : i32
          %mul3A_227 = arith.constant 512 : i32
          %mul3A_228 = arith.muli %sub3A_226, %mul3A_227 : i32
          %add3A_229 = arith.addi %mul3A_2, %mul3A_228 : i32
          %dma_wait3A_230 = arith.constant 0 : i32
          %dma_wait3A_231 = tpu.memref_slice %arg4[%add3A_229, %dma_wait3A_230] : memref<819200x64xf32, #tpu.memory_space<hbm>> -> memref<512x64xf32, #tpu.memory_space<hbm>>
          %dma_wait3A_232 = arith.constant 0 : i32
          %dma_wait3A_233 = tpu.memref_slice %arg4[%add3A_229, %dma_wait3A_232] : memref<819200x64xf32, #tpu.memory_space<hbm>> -> memref<512x64xf32, #tpu.memory_space<hbm>>
          tpu.wait_dma2 semaphore(%arg11 : memref<!tpu.dma_semaphore, #tpu.memory_space<semaphore_mem>>) src(%arg7 : memref<512x64xf32, #tpu.memory_space<vmem>>) dst(%dma_wait3A_233 : memref<512x64xf32, #tpu.memory_space<hbm>>)
        } else {
        }
        %add3A_180 = arith.constant 1 : i32
        %add3A_181 = arith.addi %add3A_60, %add3A_180 : i32
        %mul3A_182 = arith.constant 512 : i32
        %mul3A_183 = arith.muli %add3A_181, %mul3A_182 : i32
        %add3A_184 = arith.constant 0 : i32
        %add3A_185 = arith.addi %mul3A_183, %add3A_184 : i32
        %mul3A_186 = arith.constant 512 : i32
        %mul3A_187 = arith.muli %add3A_181, %mul3A_186 : i32
        %add3A_188 = arith.constant 128 : i32
        %add3A_189 = arith.addi %mul3A_187, %add3A_188 : i32
        %mul3A_190 = arith.constant 512 : i32
        %mul3A_191 = arith.muli %add3A_181, %mul3A_190 : i32
        %add3A_192 = arith.constant 256 : i32
        %add3A_193 = arith.addi %mul3A_191, %add3A_192 : i32
        %mul3A_194 = arith.constant 512 : i32
        %mul3A_195 = arith.muli %add3A_181, %mul3A_194 : i32
        %add3A_196 = arith.constant 384 : i32
        %add3A_197 = arith.addi %mul3A_195, %add3A_196 : i32
        %dma_start3A_198 = arith.constant 0 : i32
        %dma_start3A_199 = arith.constant 0 : i32
        %dma_start3A_200 = tpu.memref_slice %arg7[%dma_start3A_198, %dma_start3A_199] : memref<512x64xf32, #tpu.memory_space<vmem>> -> memref<128x64xf32, #tpu.memory_space<vmem>>
        %dma_start3A_201 = tpu.memref_slice %arg5[%add3A_185] : memref<25600xi32, #tpu.memory_space<vmem>> -> memref<128xi32, #tpu.memory_space<vmem>>
        %dma_start3A_202 = arith.constant 0 : i32
        %dma_start3A_203 = arith.constant 0 : i32
        %dma_start3A_204 = tpu.memref_slice %arg3[%dma_start3A_202, %dma_start3A_203] : memref<100000x64xf32, #tpu.memory_space<hbm>> -> memref<100000x64xf32, #tpu.memory_space<hbm>>
        tpu.enqueue_indirect_dma source(%dma_start3A_204 : memref<100000x64xf32, #tpu.memory_space<hbm>>) target(%dma_start3A_200 : memref<128x64xf32, #tpu.memory_space<vmem>>) offsets(%dma_start3A_201 : memref<128xi32, #tpu.memory_space<vmem>>) semaphore(%arg9 : memref<!tpu.dma_semaphore, #tpu.memory_space<semaphore_mem>>)
        %dma_start3A_205 = arith.constant 128 : i32
        %dma_start3A_206 = arith.constant 0 : i32
        %dma_start3A_207 = tpu.memref_slice %arg7[%dma_start3A_205, %dma_start3A_206] : memref<512x64xf32, #tpu.memory_space<vmem>> -> memref<128x64xf32, #tpu.memory_space<vmem>>
        %dma_start3A_208 = tpu.memref_slice %arg5[%add3A_189] : memref<25600xi32, #tpu.memory_space<vmem>> -> memref<128xi32, #tpu.memory_space<vmem>>
        %dma_start3A_209 = arith.constant 0 : i32
        %dma_start3A_210 = arith.constant 0 : i32
        %dma_start3A_211 = tpu.memref_slice %arg3[%dma_start3A_209, %dma_start3A_210] : memref<100000x64xf32, #tpu.memory_space<hbm>> -> memref<100000x64xf32, #tpu.memory_space<hbm>>
        tpu.enqueue_indirect_dma source(%dma_start3A_211 : memref<100000x64xf32, #tpu.memory_space<hbm>>) target(%dma_start3A_207 : memref<128x64xf32, #tpu.memory_space<vmem>>) offsets(%dma_start3A_208 : memref<128xi32, #tpu.memory_space<vmem>>) semaphore(%arg9 : memref<!tpu.dma_semaphore, #tpu.memory_space<semaphore_mem>>)
        %dma_start3A_212 = arith.constant 256 : i32
        %dma_start3A_213 = arith.constant 0 : i32
        %dma_start3A_214 = tpu.memref_slice %arg7[%dma_start3A_212, %dma_start3A_213] : memref<512x64xf32, #tpu.memory_space<vmem>> -> memref<128x64xf32, #tpu.memory_space<vmem>>
        %dma_start3A_215 = tpu.memref_slice %arg5[%add3A_193] : memref<25600xi32, #tpu.memory_space<vmem>> -> memref<128xi32, #tpu.memory_space<vmem>>
        %dma_start3A_216 = arith.constant 0 : i32
        %dma_start3A_217 = arith.constant 0 : i32
        %dma_start3A_218 = tpu.memref_slice %arg3[%dma_start3A_216, %dma_start3A_217] : memref<100000x64xf32, #tpu.memory_space<hbm>> -> memref<100000x64xf32, #tpu.memory_space<hbm>>
        tpu.enqueue_indirect_dma source(%dma_start3A_218 : memref<100000x64xf32, #tpu.memory_space<hbm>>) target(%dma_start3A_214 : memref<128x64xf32, #tpu.memory_space<vmem>>) offsets(%dma_start3A_215 : memref<128xi32, #tpu.memory_space<vmem>>) semaphore(%arg9 : memref<!tpu.dma_semaphore, #tpu.memory_space<semaphore_mem>>)
        %dma_start3A_219 = arith.constant 384 : i32
        %dma_start3A_220 = arith.constant 0 : i32
        %dma_start3A_221 = tpu.memref_slice %arg7[%dma_start3A_219, %dma_start3A_220] : memref<512x64xf32, #tpu.memory_space<vmem>> -> memref<128x64xf32, #tpu.memory_space<vmem>>
        %dma_start3A_222 = tpu.memref_slice %arg5[%add3A_197] : memref<25600xi32, #tpu.memory_space<vmem>> -> memref<128xi32, #tpu.memory_space<vmem>>
        %dma_start3A_223 = arith.constant 0 : i32
        %dma_start3A_224 = arith.constant 0 : i32
        %dma_start3A_225 = tpu.memref_slice %arg3[%dma_start3A_223, %dma_start3A_224] : memref<100000x64xf32, #tpu.memory_space<hbm>> -> memref<100000x64xf32, #tpu.memory_space<hbm>>
        tpu.enqueue_indirect_dma source(%dma_start3A_225 : memref<100000x64xf32, #tpu.memory_space<hbm>>) target(%dma_start3A_221 : memref<128x64xf32, #tpu.memory_space<vmem>>) offsets(%dma_start3A_222 : memref<128xi32, #tpu.memory_space<vmem>>) semaphore(%arg9 : memref<!tpu.dma_semaphore, #tpu.memory_space<semaphore_mem>>)
      } else {
      }
      %mul3A_65 = arith.constant 512 : i32
      %mul3A_66 = arith.muli %add3A_60, %mul3A_65 : i32
      %add3A_67 = arith.constant 0 : i32
      %add3A_68 = arith.addi %mul3A_66, %add3A_67 : i32
      %mul3A_69 = arith.constant 512 : i32
      %mul3A_70 = arith.muli %add3A_60, %mul3A_69 : i32
      %add3A_71 = arith.constant 128 : i32
      %add3A_72 = arith.addi %mul3A_70, %add3A_71 : i32
      %mul3A_73 = arith.constant 512 : i32
      %mul3A_74 = arith.muli %add3A_60, %mul3A_73 : i32
      %add3A_75 = arith.constant 256 : i32
      %add3A_76 = arith.addi %mul3A_74, %add3A_75 : i32
      %mul3A_77 = arith.constant 512 : i32
      %mul3A_78 = arith.muli %add3A_60, %mul3A_77 : i32
      %add3A_79 = arith.constant 384 : i32
      %add3A_80 = arith.addi %mul3A_78, %add3A_79 : i32
      %dma_wait3A_81 = arith.constant 0 : i32
      %dma_wait3A_82 = arith.constant 0 : i32
      %dma_wait3A_83 = tpu.memref_slice %arg6[%dma_wait3A_81, %dma_wait3A_82] : memref<512x64xf32, #tpu.memory_space<vmem>> -> memref<128x64xf32, #tpu.memory_space<vmem>>
      %dma_wait3A_84 = tpu.memref_slice %arg5[%add3A_68] : memref<25600xi32, #tpu.memory_space<vmem>> -> memref<128xi32, #tpu.memory_space<vmem>>
      %dma_wait3A_85 = arith.constant 0 : i32
      %dma_wait3A_86 = arith.constant 0 : i32
      %dma_wait3A_87 = tpu.memref_slice %arg3[%dma_wait3A_85, %dma_wait3A_86] : memref<100000x64xf32, #tpu.memory_space<hbm>> -> memref<100000x64xf32, #tpu.memory_space<hbm>>
      tpu.wait_indirect_dma semaphore(%arg8 : memref<!tpu.dma_semaphore, #tpu.memory_space<semaphore_mem>>) src(%dma_wait3A_87 : memref<100000x64xf32, #tpu.memory_space<hbm>>) dst(%dma_wait3A_83 : memref<128x64xf32, #tpu.memory_space<vmem>>)
      %dma_wait3A_88 = arith.constant 128 : i32
      %dma_wait3A_89 = arith.constant 0 : i32
      %dma_wait3A_90 = tpu.memref_slice %arg6[%dma_wait3A_88, %dma_wait3A_89] : memref<512x64xf32, #tpu.memory_space<vmem>> -> memref<128x64xf32, #tpu.memory_space<vmem>>
      %dma_wait3A_91 = tpu.memref_slice %arg5[%add3A_72] : memref<25600xi32, #tpu.memory_space<vmem>> -> memref<128xi32, #tpu.memory_space<vmem>>
      %dma_wait3A_92 = arith.constant 0 : i32
      %dma_wait3A_93 = arith.constant 0 : i32
      %dma_wait3A_94 = tpu.memref_slice %arg3[%dma_wait3A_92, %dma_wait3A_93] : memref<100000x64xf32, #tpu.memory_space<hbm>> -> memref<100000x64xf32, #tpu.memory_space<hbm>>
      tpu.wait_indirect_dma semaphore(%arg8 : memref<!tpu.dma_semaphore, #tpu.memory_space<semaphore_mem>>) src(%dma_wait3A_94 : memref<100000x64xf32, #tpu.memory_space<hbm>>) dst(%dma_wait3A_90 : memref<128x64xf32, #tpu.memory_space<vmem>>)
      %dma_wait3A_95 = arith.constant 256 : i32
      %dma_wait3A_96 = arith.constant 0 : i32
      %dma_wait3A_97 = tpu.memref_slice %arg6[%dma_wait3A_95, %dma_wait3A_96] : memref<512x64xf32, #tpu.memory_space<vmem>> -> memref<128x64xf32, #tpu.memory_space<vmem>>
      %dma_wait3A_98 = tpu.memref_slice %arg5[%add3A_76] : memref<25600xi32, #tpu.memory_space<vmem>> -> memref<128xi32, #tpu.memory_space<vmem>>
      %dma_wait3A_99 = arith.constant 0 : i32
      %dma_wait3A_100 = arith.constant 0 : i32
      %dma_wait3A_101 = tpu.memref_slice %arg3[%dma_wait3A_99, %dma_wait3A_100] : memref<100000x64xf32, #tpu.memory_space<hbm>> -> memref<100000x64xf32, #tpu.memory_space<hbm>>
      tpu.wait_indirect_dma semaphore(%arg8 : memref<!tpu.dma_semaphore, #tpu.memory_space<semaphore_mem>>) src(%dma_wait3A_101 : memref<100000x64xf32, #tpu.memory_space<hbm>>) dst(%dma_wait3A_97 : memref<128x64xf32, #tpu.memory_space<vmem>>)
      %dma_wait3A_102 = arith.constant 384 : i32
      %dma_wait3A_103 = arith.constant 0 : i32
      %dma_wait3A_104 = tpu.memref_slice %arg6[%dma_wait3A_102, %dma_wait3A_103] : memref<512x64xf32, #tpu.memory_space<vmem>> -> memref<128x64xf32, #tpu.memory_space<vmem>>
      %dma_wait3A_105 = tpu.memref_slice %arg5[%add3A_80] : memref<25600xi32, #tpu.memory_space<vmem>> -> memref<128xi32, #tpu.memory_space<vmem>>
      %dma_wait3A_106 = arith.constant 0 : i32
      %dma_wait3A_107 = arith.constant 0 : i32
      %dma_wait3A_108 = tpu.memref_slice %arg3[%dma_wait3A_106, %dma_wait3A_107] : memref<100000x64xf32, #tpu.memory_space<hbm>> -> memref<100000x64xf32, #tpu.memory_space<hbm>>
      tpu.wait_indirect_dma semaphore(%arg8 : memref<!tpu.dma_semaphore, #tpu.memory_space<semaphore_mem>>) src(%dma_wait3A_108 : memref<100000x64xf32, #tpu.memory_space<hbm>>) dst(%dma_wait3A_104 : memref<128x64xf32, #tpu.memory_space<vmem>>)
      %mul3A_109 = arith.constant 512 : i32
      %mul3A_110 = arith.muli %add3A_60, %mul3A_109 : i32
      %add3A_111 = arith.addi %mul3A_2, %mul3A_110 : i32
      %dma_start3A_112 = arith.constant 0 : i32
      %dma_start3A_113 = tpu.memref_slice %arg4[%add3A_111, %dma_start3A_112] : memref<819200x64xf32, #tpu.memory_space<hbm>> -> memref<512x64xf32, #tpu.memory_space<hbm>>
      %dma_start3A_114 = arith.constant 0 : i32
      %dma_start3A_115 = tpu.memref_slice %arg4[%add3A_111, %dma_start3A_114] : memref<819200x64xf32, #tpu.memory_space<hbm>> -> memref<512x64xf32, #tpu.memory_space<hbm>>
      tpu.enqueue_dma source(%arg6 : memref<512x64xf32, #tpu.memory_space<vmem>>) target(%dma_start3A_115 : memref<512x64xf32, #tpu.memory_space<hbm>>) target_semaphore(%arg10 : memref<!tpu.dma_semaphore, #tpu.memory_space<semaphore_mem>>)
      %add3A_116 = arith.constant 1 : i32
      %add3A_117 = arith.addi %add3A_58, %add3A_116 : i32
      %add3A_118 = arith.constant 1 : i32
      %add3A_119 = arith.addi %add3A_117, %add3A_118 : i32
      %lt3A_120 = arith.constant 50 : i32
      %lt3A_121 = arith.cmpi slt, %add3A_119, %lt3A_120 : i32
      %convert_element_type3A_122 = arith.extui %lt3A_121 : i1 to i32
      %cond3A_123 = arith.constant 0 : i32
      %cond3A_124 = arith.cmpi ne, %convert_element_type3A_122, %cond3A_123 : i32
      scf.if %cond3A_124 {
        %ge3A = arith.constant 1 : i32
        %ge3A_176 = arith.cmpi sge, %add3A_117, %ge3A : i32
        %convert_element_type3A_177 = arith.extui %ge3A_176 : i1 to i32
        %cond3A_178 = arith.constant 0 : i32
        %cond3A_179 = arith.cmpi ne, %convert_element_type3A_177, %cond3A_178 : i32
        scf.if %cond3A_179 {
          %sub3A = arith.constant 1 : i32
          %sub3A_226 = arith.subi %add3A_117, %sub3A : i32
          %mul3A_227 = arith.constant 512 : i32
          %mul3A_228 = arith.muli %sub3A_226, %mul3A_227 : i32
          %add3A_229 = arith.addi %mul3A_2, %mul3A_228 : i32
          %dma_wait3A_230 = arith.constant 0 : i32
          %dma_wait3A_231 = tpu.memref_slice %arg4[%add3A_229, %dma_wait3A_230] : memref<819200x64xf32, #tpu.memory_space<hbm>> -> memref<512x64xf32, #tpu.memory_space<hbm>>
          %dma_wait3A_232 = arith.constant 0 : i32
          %dma_wait3A_233 = tpu.memref_slice %arg4[%add3A_229, %dma_wait3A_232] : memref<819200x64xf32, #tpu.memory_space<hbm>> -> memref<512x64xf32, #tpu.memory_space<hbm>>
          tpu.wait_dma2 semaphore(%arg10 : memref<!tpu.dma_semaphore, #tpu.memory_space<semaphore_mem>>) src(%arg6 : memref<512x64xf32, #tpu.memory_space<vmem>>) dst(%dma_wait3A_233 : memref<512x64xf32, #tpu.memory_space<hbm>>)
        } else {
        }
        %add3A_180 = arith.constant 1 : i32
        %add3A_181 = arith.addi %add3A_117, %add3A_180 : i32
        %mul3A_182 = arith.constant 512 : i32
        %mul3A_183 = arith.muli %add3A_181, %mul3A_182 : i32
        %add3A_184 = arith.constant 0 : i32
        %add3A_185 = arith.addi %mul3A_183, %add3A_184 : i32
        %mul3A_186 = arith.constant 512 : i32
        %mul3A_187 = arith.muli %add3A_181, %mul3A_186 : i32
        %add3A_188 = arith.constant 128 : i32
        %add3A_189 = arith.addi %mul3A_187, %add3A_188 : i32
        %mul3A_190 = arith.constant 512 : i32
        %mul3A_191 = arith.muli %add3A_181, %mul3A_190 : i32
        %add3A_192 = arith.constant 256 : i32
        %add3A_193 = arith.addi %mul3A_191, %add3A_192 : i32
        %mul3A_194 = arith.constant 512 : i32
        %mul3A_195 = arith.muli %add3A_181, %mul3A_194 : i32
        %add3A_196 = arith.constant 384 : i32
        %add3A_197 = arith.addi %mul3A_195, %add3A_196 : i32
        %dma_start3A_198 = arith.constant 0 : i32
        %dma_start3A_199 = arith.constant 0 : i32
        %dma_start3A_200 = tpu.memref_slice %arg6[%dma_start3A_198, %dma_start3A_199] : memref<512x64xf32, #tpu.memory_space<vmem>> -> memref<128x64xf32, #tpu.memory_space<vmem>>
        %dma_start3A_201 = tpu.memref_slice %arg5[%add3A_185] : memref<25600xi32, #tpu.memory_space<vmem>> -> memref<128xi32, #tpu.memory_space<vmem>>
        %dma_start3A_202 = arith.constant 0 : i32
        %dma_start3A_203 = arith.constant 0 : i32
        %dma_start3A_204 = tpu.memref_slice %arg3[%dma_start3A_202, %dma_start3A_203] : memref<100000x64xf32, #tpu.memory_space<hbm>> -> memref<100000x64xf32, #tpu.memory_space<hbm>>
        tpu.enqueue_indirect_dma source(%dma_start3A_204 : memref<100000x64xf32, #tpu.memory_space<hbm>>) target(%dma_start3A_200 : memref<128x64xf32, #tpu.memory_space<vmem>>) offsets(%dma_start3A_201 : memref<128xi32, #tpu.memory_space<vmem>>) semaphore(%arg8 : memref<!tpu.dma_semaphore, #tpu.memory_space<semaphore_mem>>)
        %dma_start3A_205 = arith.constant 128 : i32
        %dma_start3A_206 = arith.constant 0 : i32
        %dma_start3A_207 = tpu.memref_slice %arg6[%dma_start3A_205, %dma_start3A_206] : memref<512x64xf32, #tpu.memory_space<vmem>> -> memref<128x64xf32, #tpu.memory_space<vmem>>
        %dma_start3A_208 = tpu.memref_slice %arg5[%add3A_189] : memref<25600xi32, #tpu.memory_space<vmem>> -> memref<128xi32, #tpu.memory_space<vmem>>
        %dma_start3A_209 = arith.constant 0 : i32
        %dma_start3A_210 = arith.constant 0 : i32
        %dma_start3A_211 = tpu.memref_slice %arg3[%dma_start3A_209, %dma_start3A_210] : memref<100000x64xf32, #tpu.memory_space<hbm>> -> memref<100000x64xf32, #tpu.memory_space<hbm>>
        tpu.enqueue_indirect_dma source(%dma_start3A_211 : memref<100000x64xf32, #tpu.memory_space<hbm>>) target(%dma_start3A_207 : memref<128x64xf32, #tpu.memory_space<vmem>>) offsets(%dma_start3A_208 : memref<128xi32, #tpu.memory_space<vmem>>) semaphore(%arg8 : memref<!tpu.dma_semaphore, #tpu.memory_space<semaphore_mem>>)
        %dma_start3A_212 = arith.constant 256 : i32
        %dma_start3A_213 = arith.constant 0 : i32
        %dma_start3A_214 = tpu.memref_slice %arg6[%dma_start3A_212, %dma_start3A_213] : memref<512x64xf32, #tpu.memory_space<vmem>> -> memref<128x64xf32, #tpu.memory_space<vmem>>
        %dma_start3A_215 = tpu.memref_slice %arg5[%add3A_193] : memref<25600xi32, #tpu.memory_space<vmem>> -> memref<128xi32, #tpu.memory_space<vmem>>
        %dma_start3A_216 = arith.constant 0 : i32
        %dma_start3A_217 = arith.constant 0 : i32
        %dma_start3A_218 = tpu.memref_slice %arg3[%dma_start3A_216, %dma_start3A_217] : memref<100000x64xf32, #tpu.memory_space<hbm>> -> memref<100000x64xf32, #tpu.memory_space<hbm>>
        tpu.enqueue_indirect_dma source(%dma_start3A_218 : memref<100000x64xf32, #tpu.memory_space<hbm>>) target(%dma_start3A_214 : memref<128x64xf32, #tpu.memory_space<vmem>>) offsets(%dma_start3A_215 : memref<128xi32, #tpu.memory_space<vmem>>) semaphore(%arg8 : memref<!tpu.dma_semaphore, #tpu.memory_space<semaphore_mem>>)
        %dma_start3A_219 = arith.constant 384 : i32
        %dma_start3A_220 = arith.constant 0 : i32
        %dma_start3A_221 = tpu.memref_slice %arg6[%dma_start3A_219, %dma_start3A_220] : memref<512x64xf32, #tpu.memory_space<vmem>> -> memref<128x64xf32, #tpu.memory_space<vmem>>
        %dma_start3A_222 = tpu.memref_slice %arg5[%add3A_197] : memref<25600xi32, #tpu.memory_space<vmem>> -> memref<128xi32, #tpu.memory_space<vmem>>
        %dma_start3A_223 = arith.constant 0 : i32
        %dma_start3A_224 = arith.constant 0 : i32
        %dma_start3A_225 = tpu.memref_slice %arg3[%dma_start3A_223, %dma_start3A_224] : memref<100000x64xf32, #tpu.memory_space<hbm>> -> memref<100000x64xf32, #tpu.memory_space<hbm>>
        tpu.enqueue_indirect_dma source(%dma_start3A_225 : memref<100000x64xf32, #tpu.memory_space<hbm>>) target(%dma_start3A_221 : memref<128x64xf32, #tpu.memory_space<vmem>>) offsets(%dma_start3A_222 : memref<128xi32, #tpu.memory_space<vmem>>) semaphore(%arg8 : memref<!tpu.dma_semaphore, #tpu.memory_space<semaphore_mem>>)
      } else {
      }
      %mul3A_125 = arith.constant 512 : i32
      %mul3A_126 = arith.muli %add3A_117, %mul3A_125 : i32
      %add3A_127 = arith.constant 0 : i32
      %add3A_128 = arith.addi %mul3A_126, %add3A_127 : i32
      %mul3A_129 = arith.constant 512 : i32
      %mul3A_130 = arith.muli %add3A_117, %mul3A_129 : i32
      %add3A_131 = arith.constant 128 : i32
      %add3A_132 = arith.addi %mul3A_130, %add3A_131 : i32
      %mul3A_133 = arith.constant 512 : i32
      %mul3A_134 = arith.muli %add3A_117, %mul3A_133 : i32
      %add3A_135 = arith.constant 256 : i32
      %add3A_136 = arith.addi %mul3A_134, %add3A_135 : i32
      %mul3A_137 = arith.constant 512 : i32
      %mul3A_138 = arith.muli %add3A_117, %mul3A_137 : i32
      %add3A_139 = arith.constant 384 : i32
      %add3A_140 = arith.addi %mul3A_138, %add3A_139 : i32
      %dma_wait3A_141 = arith.constant 0 : i32
      %dma_wait3A_142 = arith.constant 0 : i32
      %dma_wait3A_143 = tpu.memref_slice %arg7[%dma_wait3A_141, %dma_wait3A_142] : memref<512x64xf32, #tpu.memory_space<vmem>> -> memref<128x64xf32, #tpu.memory_space<vmem>>
      %dma_wait3A_144 = tpu.memref_slice %arg5[%add3A_128] : memref<25600xi32, #tpu.memory_space<vmem>> -> memref<128xi32, #tpu.memory_space<vmem>>
      %dma_wait3A_145 = arith.constant 0 : i32
      %dma_wait3A_146 = arith.constant 0 : i32
      %dma_wait3A_147 = tpu.memref_slice %arg3[%dma_wait3A_145, %dma_wait3A_146] : memref<100000x64xf32, #tpu.memory_space<hbm>> -> memref<100000x64xf32, #tpu.memory_space<hbm>>
      tpu.wait_indirect_dma semaphore(%arg9 : memref<!tpu.dma_semaphore, #tpu.memory_space<semaphore_mem>>) src(%dma_wait3A_147 : memref<100000x64xf32, #tpu.memory_space<hbm>>) dst(%dma_wait3A_143 : memref<128x64xf32, #tpu.memory_space<vmem>>)
      %dma_wait3A_148 = arith.constant 128 : i32
      %dma_wait3A_149 = arith.constant 0 : i32
      %dma_wait3A_150 = tpu.memref_slice %arg7[%dma_wait3A_148, %dma_wait3A_149] : memref<512x64xf32, #tpu.memory_space<vmem>> -> memref<128x64xf32, #tpu.memory_space<vmem>>
      %dma_wait3A_151 = tpu.memref_slice %arg5[%add3A_132] : memref<25600xi32, #tpu.memory_space<vmem>> -> memref<128xi32, #tpu.memory_space<vmem>>
      %dma_wait3A_152 = arith.constant 0 : i32
      %dma_wait3A_153 = arith.constant 0 : i32
      %dma_wait3A_154 = tpu.memref_slice %arg3[%dma_wait3A_152, %dma_wait3A_153] : memref<100000x64xf32, #tpu.memory_space<hbm>> -> memref<100000x64xf32, #tpu.memory_space<hbm>>
      tpu.wait_indirect_dma semaphore(%arg9 : memref<!tpu.dma_semaphore, #tpu.memory_space<semaphore_mem>>) src(%dma_wait3A_154 : memref<100000x64xf32, #tpu.memory_space<hbm>>) dst(%dma_wait3A_150 : memref<128x64xf32, #tpu.memory_space<vmem>>)
      %dma_wait3A_155 = arith.constant 256 : i32
      %dma_wait3A_156 = arith.constant 0 : i32
      %dma_wait3A_157 = tpu.memref_slice %arg7[%dma_wait3A_155, %dma_wait3A_156] : memref<512x64xf32, #tpu.memory_space<vmem>> -> memref<128x64xf32, #tpu.memory_space<vmem>>
      %dma_wait3A_158 = tpu.memref_slice %arg5[%add3A_136] : memref<25600xi32, #tpu.memory_space<vmem>> -> memref<128xi32, #tpu.memory_space<vmem>>
      %dma_wait3A_159 = arith.constant 0 : i32
      %dma_wait3A_160 = arith.constant 0 : i32
      %dma_wait3A_161 = tpu.memref_slice %arg3[%dma_wait3A_159, %dma_wait3A_160] : memref<100000x64xf32, #tpu.memory_space<hbm>> -> memref<100000x64xf32, #tpu.memory_space<hbm>>
      tpu.wait_indirect_dma semaphore(%arg9 : memref<!tpu.dma_semaphore, #tpu.memory_space<semaphore_mem>>) src(%dma_wait3A_161 : memref<100000x64xf32, #tpu.memory_space<hbm>>) dst(%dma_wait3A_157 : memref<128x64xf32, #tpu.memory_space<vmem>>)
      %dma_wait3A_162 = arith.constant 384 : i32
      %dma_wait3A_163 = arith.constant 0 : i32
      %dma_wait3A_164 = tpu.memref_slice %arg7[%dma_wait3A_162, %dma_wait3A_163] : memref<512x64xf32, #tpu.memory_space<vmem>> -> memref<128x64xf32, #tpu.memory_space<vmem>>
      %dma_wait3A_165 = tpu.memref_slice %arg5[%add3A_140] : memref<25600xi32, #tpu.memory_space<vmem>> -> memref<128xi32, #tpu.memory_space<vmem>>
      %dma_wait3A_166 = arith.constant 0 : i32
      %dma_wait3A_167 = arith.constant 0 : i32
      %dma_wait3A_168 = tpu.memref_slice %arg3[%dma_wait3A_166, %dma_wait3A_167] : memref<100000x64xf32, #tpu.memory_space<hbm>> -> memref<100000x64xf32, #tpu.memory_space<hbm>>
      tpu.wait_indirect_dma semaphore(%arg9 : memref<!tpu.dma_semaphore, #tpu.memory_space<semaphore_mem>>) src(%dma_wait3A_168 : memref<100000x64xf32, #tpu.memory_space<hbm>>) dst(%dma_wait3A_164 : memref<128x64xf32, #tpu.memory_space<vmem>>)
      %mul3A_169 = arith.constant 512 : i32
      %mul3A_170 = arith.muli %add3A_117, %mul3A_169 : i32
      %add3A_171 = arith.addi %mul3A_2, %mul3A_170 : i32
      %dma_start3A_172 = arith.constant 0 : i32
      %dma_start3A_173 = tpu.memref_slice %arg4[%add3A_171, %dma_start3A_172] : memref<819200x64xf32, #tpu.memory_space<hbm>> -> memref<512x64xf32, #tpu.memory_space<hbm>>
      %dma_start3A_174 = arith.constant 0 : i32
      %dma_start3A_175 = tpu.memref_slice %arg4[%add3A_171, %dma_start3A_174] : memref<819200x64xf32, #tpu.memory_space<hbm>> -> memref<512x64xf32, #tpu.memory_space<hbm>>
      tpu.enqueue_dma source(%arg7 : memref<512x64xf32, #tpu.memory_space<vmem>>) target(%dma_start3A_175 : memref<512x64xf32, #tpu.memory_space<hbm>>) target_semaphore(%arg11 : memref<!tpu.dma_semaphore, #tpu.memory_space<semaphore_mem>>)
    }
    %scan3A_42 = arith.constant 25 : i32
    %add3A_43 = arith.constant 24576 : i32
    %add3A_44 = arith.addi %mul3A_2, %add3A_43 : i32
    %dma_wait3A = arith.constant 0 : i32
    %dma_wait3A_45 = tpu.memref_slice %arg4[%add3A_44, %dma_wait3A] : memref<819200x64xf32, #tpu.memory_space<hbm>> -> memref<512x64xf32, #tpu.memory_space<hbm>>
    %dma_wait3A_46 = arith.constant 0 : i32
    %dma_wait3A_47 = tpu.memref_slice %arg4[%add3A_44, %dma_wait3A_46] : memref<819200x64xf32, #tpu.memory_space<hbm>> -> memref<512x64xf32, #tpu.memory_space<hbm>>
    tpu.wait_dma2 semaphore(%arg10 : memref<!tpu.dma_semaphore, #tpu.memory_space<semaphore_mem>>) src(%arg6 : memref<512x64xf32, #tpu.memory_space<vmem>>) dst(%dma_wait3A_47 : memref<512x64xf32, #tpu.memory_space<hbm>>)
    %add3A_48 = arith.constant 25088 : i32
    %add3A_49 = arith.addi %mul3A_2, %add3A_48 : i32
    %dma_wait3A_50 = arith.constant 0 : i32
    %dma_wait3A_51 = tpu.memref_slice %arg4[%add3A_49, %dma_wait3A_50] : memref<819200x64xf32, #tpu.memory_space<hbm>> -> memref<512x64xf32, #tpu.memory_space<hbm>>
    %dma_wait3A_52 = arith.constant 0 : i32
    %dma_wait3A_53 = tpu.memref_slice %arg4[%add3A_49, %dma_wait3A_52] : memref<819200x64xf32, #tpu.memory_space<hbm>> -> memref<512x64xf32, #tpu.memory_space<hbm>>
    tpu.wait_dma2 semaphore(%arg11 : memref<!tpu.dma_semaphore, #tpu.memory_space<semaphore_mem>>) src(%arg7 : memref<512x64xf32, #tpu.memory_space<vmem>>) dst(%dma_wait3A_53 : memref<512x64xf32, #tpu.memory_space<hbm>>)
    return
  }
}

</mosaic_0001>

<sc_bundles>
// kernel: _sc_gather.3.cloned.1.call-start
scs
__scs_entry_jumppad:
0x0: {  	(pc) =	sbr.rel $0x88, $3  }
0x1: {  	(tag) =	ssettag $0x0;
	lr =	simm.s32 $0x1  }
0x2: {  	[smem:$0x3F9F] =	sst lr;
	_ =	strace $0xD0000000  }
0x3: {  	_ = 	snop  }
0x4: {  	_ = 	snop  }
0x5: {  	_ = 	snop  }
0x6: {  	_ = 	snop  }
0x7: {  	_ = 	snop  }
__scs_overlays_trampoline_lowered:
0x8: {  	[smem:$0x3FAE] =	sst s0  }
0x9: {  	[smem:$0x3FAF] =	sst s1  }
0xa: {  	[smem:$0x3FB0] =	sst s2  }
0xb: {  	[smem:$0x3FB1] =	sst s3  }
0xc: {  	[smem:$0x3FB2] =	sst s4  }
0xd: {  	[smem:$0x3FB3] =	sst s5  }
0xe: {  	[smem:$0x3FB4] =	sst s6  }
0xf: {  	[smem:$0x3FB5] =	sst s7  }
0x10: {  	[smem:$0x3FB6] =	sst s8  }
0x11: {  	[smem:$0x3FB7] =	sst s9;
	s0 =	simm.s32 @!p0 $0x0  }
0x12: {  	s1 =	sld [smem:$0x3F9D];
	s0 =	simm.s32 @p0 $0x1  }
0x13: {  	[smem:$0x3FB8] =	sst s0;
	s0 =	simm.s32 @!p1 $0x0  }
0x14: {  	s2 =	sld [smem:$0x3F9C];
	s0 =	simm.s32 @p1 $0x1  }
0x15: {  	[smem:$0x3FB9] =	sst s0;
	s0 =	simm.s32 @!p2 $0x0  }
0x16: {  	s3 =	sld [smem:$0x3FDB];
	s0 =	simm.s32 @p2 $0x1  }
0x17: {  	s4 =	simm.s32 $0x1BF5;
	[smem:$0x3FBB] =	sst s0  }
0x18: {  	s0 =	sld [smem:$0x3F9E];
	_ =	swait.ge [sflag:s4], $0x0  }
0x19: {  	s7 =	sld [smem:$0x3F9F]  }
0x1a: {  	s8 =	sadd.s32 $0xFFFFE003, lr  }
0x1b: {  	s9 =	sadd.s32 $0xFFFFFEF7, lr;
	s5 =	simm.s32 $0xFFFFFFFF;
	p2 =	slt.u32 s8, $0xFFFFF086  }
0x1c: {  	p1 =	slt.u32 s9, $0xF7A;
	s5 =	simm.s32 @!p2 $0x0  }
0x1d: {  	s5 =	simm.s32 @p1 $0x1;
	p0 =	seq.s32 s7, s2  }
0x1e: {  	s7 =	smul.u32 @!p0 $0xF7A, s2;
	p2 =	seq.s32 @!p0 s5, $0x0  }
0x1f: {  	s9 =	smul.u32 $0xF7A, s1;
	s8 =	simm.s32 @!p0 $0x1BF5;
	p2 =	por !p2, p0  }
0x20: {  	[sflag:s8] =	ssyncset.s32 @!p0 $0xFFFFF086;
	s6 =	sadd.s32 @!p0 s3, s7;
	s7 =	simm.s32 @!p0 $0x108  }
0x21: {  	s3 =	sadd.s32 s3, s9;
	s6 =	sadd.s32 @!p0 $0x88, s6;
	s7 =	simm.s32 @p2 $0x1082  }
0x22: {  	[simem:s7], [sflag:s8] =	dma.local @!p0 [hbm:s6], $0xF7A  }
0x23: {  	s9 =	sor.u32 $0xD0000000, s2;
	s6 =	simm.s32 $0x108;
	_ =	swait.ge @!p0 [sflag:s8], $0x0  }
0x24: {  	s3 =	sadd.s32 $0x88, s3;
	s6 =	simm.s32 @!p1 $0x1082;
	[sflag:s4] =	ssyncset.s32 $0xFFFFF086  }
0x25: {  	[simem:s6], [sflag:s4] =	dma.local [hbm:s3], $0xF7A  }
0x26: {  	[smem:$0x3F9F] =	sst s1;
	(tag) =	ssettag s2;
	_ =	strace s9  }
0x27: {  	s1 =	sld [smem:$0x3FAF]  }
0x28: {  	s2 =	sld [smem:$0x3FB0]  }
0x29: {  	s4 =	sld [smem:$0x3FB2]  }
0x2a: {  	p0 =	seq.s32 s5, $0x0;
	s5 =	sld [smem:$0x3FB3]  }
0x2b: {  	s6 =	sld [smem:$0x3FB4]  }
0x2c: {  	s7 =	sld [smem:$0x3FB5]  }
0x2d: {  	s3 =	simm.s32 $0x108;
	s8 =	sld [smem:$0x3FB6]  }
0x2e: {  	s3 =	simm.s32 @!p0 $0x1082;
	s9 =	sld [smem:$0x3FB7]  }
0x2f: {  	lr =	sadd.s32 s0, s3;
	s0 =	sld [smem:$0x3FAE]  }
0x30: {  	s3 =	sld [smem:$0x3FB1]  }
0x31: {  	[smem:$0x3FBA] =	sst s10  }
0x32: {  	s10 =	sld [smem:$0x3FB8];
	_ =	sdelay $0x3  }
0x33: {  	p0 =	seq.s32 s10, $0x1;
	s10 =	sld [smem:$0x3FBA];
	_ =	sdelay $0x3  }
0x34: {  	[smem:$0x3FBA] =	sst s10  }
0x35: {  	s10 =	sld [smem:$0x3FB9];
	_ =	sdelay $0x3  }
0x36: {  	p1 =	seq.s32 s10, $0x1;
	s10 =	sld [smem:$0x3FBA];
	_ =	sdelay $0x3  }
0x37: {  	[smem:$0x3FBA] =	sst s10  }
0x38: {  	s10 =	sld [smem:$0x3FBB]  }
0x39: {  	_ = 	snop;
	(pc) =	sbr.ind lr, $3  }
0x3a: {  	_ = 	snop  }
0x3b: {  	_ = 	snop  }
0x3c: {  	p2 =	seq.s32 s10, $0x1;
	s10 =	sld [smem:$0x3FBA]  }
0x3d: {  	_ =	shalt  }
0x3e: {  	_ =	shalt  }
0x3f: {  	_ =	shalt  }
0x40: {  	_ =	shalt  }
0x41: {  	_ =	shalt  }
0x42: {  	_ =	shalt  }
0x43: {  	_ =	shalt  }
0x44: {  	_ =	shalt  }
0x45: {  	_ =	shalt  }
0x46: {  	_ =	shalt  }
0x47: {  	_ =	shalt  }
0x48: {  	_ =	shalt  }
0x49: {  	_ =	shalt  }
0x4a: {  	_ =	shalt  }
0x4b: {  	_ =	shalt  }
0x4c: {  	_ =	shalt  }
0x4d: {  	_ =	shalt  }
0x4e: {  	_ =	shalt  }
0x4f: {  	_ =	shalt  }
0x50: {  	_ =	shalt  }
0x51: {  	_ =	shalt  }
0x52: {  	_ =	shalt  }
0x53: {  	_ =	shalt  }
0x54: {  	_ =	shalt  }
0x55: {  	_ =	shalt  }
0x56: {  	_ =	shalt  }
0x57: {  	_ =	shalt  }
0x58: {  	_ =	shalt  }
0x59: {  	_ =	shalt  }
0x5a: {  	_ =	shalt  }
0x5b: {  	_ =	shalt  }
0x5c: {  	_ =	shalt  }
0x5d: {  	_ =	shalt  }
0x5e: {  	_ =	shalt  }
0x5f: {  	_ =	shalt  }
0x60: {  	_ =	shalt  }
0x61: {  	_ =	shalt  }
0x62: {  	_ =	shalt  }
0x63: {  	_ =	shalt  }
0x64: {  	_ =	shalt  }
0x65: {  	_ =	shalt  }
0x66: {  	_ =	shalt  }
0x67: {  	_ =	shalt  }
0x68: {  	_ =	shalt  }
0x69: {  	_ =	shalt  }
0x6a: {  	_ =	shalt  }
0x6b: {  	_ =	shalt  }
0x6c: {  	_ =	shalt  }
0x6d: {  	_ =	shalt  }
0x6e: {  	_ =	shalt  }
0x6f: {  	_ =	shalt  }
0x70: {  	_ =	shalt  }
0x71: {  	_ =	shalt  }
0x72: {  	_ =	shalt  }
0x73: {  	_ =	shalt  }
0x74: {  	_ =	shalt  }
0x75: {  	_ =	shalt  }
0x76: {  	_ =	shalt  }
0x77: {  	_ =	shalt  }
0x78: {  	_ =	shalt  }
0x79: {  	_ =	shalt  }
0x7a: {  	_ =	shalt  }
0x7b: {  	_ =	shalt  }
0x7c: {  	_ =	shalt  }
0x7d: {  	_ =	shalt  }
0x7e: {  	_ =	shalt  }
0x7f: {  	_ =	shalt  }
0x80: {  	_ =	shalt  }
0x81: {  	_ =	shalt  }
0x82: {  	_ =	shalt  }
0x83: {  	_ =	shalt  }
0x84: {  	_ =	shalt  }
0x85: {  	_ =	shalt  }
0x86: {  	_ =	shalt  }
0x87: {  	_ =	shalt  }
.Lfunc_end0:
.L_simem_size_0:
called_computation.1_lowered:
.L_overlay_start_0:
0x88: {  	s2 =	sld [smem:$0x3FD9]  }
0x89: {  	s3 =	sld [smem:$0x3FFE];
	_ =	sdelay $0x1  }
0x8a: {  	s1 =	srdreg.scid  }
0x8b: {  	s0 =	sand.u32 $0x1, s1  }
0x8c: {  	s17 =	sshll.u32 s0, $0xA;
	s2 =	sadd.s32 s3, s2  }
0x8d: {  	s2 =	sadd.s32 s2, s17  }
0x8e: {  	[smem:$0x3FC6] =	sst s2  }
0x8f: {  	_ = 	snop  }
0x90: {  	s2 =	sld [smem:$0x3FC9]  }
0x91: {  	s18 =	sld [smem:$0x3FD0];
	(tm) =	ssettm $0x1  }
0x92: {  	s4 =	sld [smem:$0x3FFB];
	_ =	sdelay $0x3  }
0x93: {  	_ =	strace s4  }
0x94: {  	s4 =	sld [smem:$0x3FFC];
	_ =	sdelay $0x3  }
0x95: {  	_ =	strace s4  }
0x96: {  	s4 =	sld [smem:$0x3FFD];
	_ =	sdelay $0x3  }
0x97: {  	_ =	strace s4  }
0x98: {  	_ =	strace $0x8FFFFFFF  }
0x99: {  	s19 =	sld [smem:$0x3FDB];
	_ =	sdelay $0x1  }
0x9a: {  	s5 =	simm.s32 $_scs_section_size  }
0x9b: {  	s6 =	simm.s32 $_size__tile_overlayer_lowered;
	s7 =	simm.s32 $_tile_overlayer_lowered  }
0x9c: {  	s22 =	simm.s32 $0x1BFF;
	s21 =	sshll.u32 s7, $0x1;
	s4 =	sadd.s32 s5, s19  }
0x9d: {  	s8 =	simm.s32 $0x0;
	s20 =	sshll.u32 s6, $0x1;
	s6 =	sadd.s32 s21, s4  }
0x9e: {  	[timem:s8], [sflag:s22] =	dma.local [hbm:s6], s20  }
0x9f: {  	_ =	swait.ge [sflag:s22], s20  }
0xa0: {  	s5 =	ssub.s32 $0x0, s20;
	[sflag:s22] =	ssyncset.done $0x0  }
0xa1: {  	[sflag:s22] =	ssyncadd.s32 s5;
	_ =	sdelay $0x1  }
0xa2: {  	s23 =	simm.s32 $0x1B8B  }
0xa3: {  	_ =	swait.ge [sflag:s23], $0x1  }
0xa4: {  	[sflag:s23] =	ssyncset.done $0x0  }
0xa5: {  	s25 =	simm.s32 $0x1B8E;
	s24 =	sld [smem:$0x3FFE];
	[sflag:s23] =	ssyncadd.s32 $0xFFFFFFFF  }
0xa6: {  	s26 =	simm.s32 $execute0_lowered;
	[smem:$0x3FD2] =	sst s25  }
0xa7: {  	s6 =	sshll.u32 s26, $0x1;
	_ =	strace $0x80000046;
	[dreg:$0x1] =	wrdreg $0xFFFFFFFF  }
0xa8: {  	s28 =	simm.s32 $_size_execute0_lowered;
	s4 =	sadd.s32 s4, s6;
	[dreg:$0x0] =	wrdreg $0x0  }
0xa9: {  	s6 =	sshll.u32 s28, $0x1;
	[dreg:$0x2] =	wrdreg s4  }
0xaa: {  	[dreg:$0x3] =	wrdreg s6  }
0xab: {  	[dreg:$0x4] =	wrdreg $0xC0  }
0xac: {  	_ =	task [dreg:s8], $0x5FFFF  }
0xad: {  	[dreg:$0x1] =	wrdreg $0xFFFFFFFF  }
0xae: {  	[dreg:$0x0] =	wrdreg $0x60  }
0xaf: {  	[dreg:$0x2] =	wrdreg s2  }
0xb0: {  	[dreg:$0x3] =	wrdreg s24  }
0xb1: {  	[dreg:$0x4] =	wrdreg s18  }
0xb2: {  	[dreg:$0x5] =	wrdreg $0x9  }
0xb3: {  	_ =	task.clear_ibuf [dreg:s8], $0x6FFFF;
	_ =	strace $0x90000046  }
0xb4: {  	s29 =	simm.s32 $0x9;
	_ =	strace $0x80000048  }
0xb5: {  	_ =	swait.ge [sflag:s29], $0x1  }
0xb6: {  	[sflag:s29] =	ssyncadd.s32 $0xFFFFFFFF  }
0xb7: {  	_ =	strace $0x90000048  }
0xb8: {  	_ =	sfence  }
0xb9: {  	s30 =	sld [smem:$0x0];
	_ =	sdelay $0x2  }
0xba: {  	s31 =	sshll.u32 s1, $0xD;
	s1 =	sshrl.u32 s1, $0x2  }
0xbb: {  	s3 =	sand.u32 $0x4000, s31;
	s1 =	sadd.s32 s1, s30  }
0xbc: {  	s0 =	sor.u32 s3, s0;
	s1 =	sshll.u32 s1, $0x11  }
0xbd: {  	s0 =	sor.u32 s1, s0  }
0xbe: {  	s0 =	sadd.s32 $0x8F2B, s0  }
0xbf: {  	[sflag:s0] =	ssyncadd.remote.s32 $0x1  }
0xc0: {  	_ =	sfence.sel $0xFFFF  }
0xc1: {  	[dreg:$0x0] =	wrdreg $0xFFFFFFFF;
	(pc) =	sbr.abs _section_cstart, $3  }
0xc2: {  	[dreg:$0x1] =	wrdreg $0xFFFFFFFF  }
0xc3: {  	_ =	task.clear_ibuf [dreg:s8], $0x2FFFF;
	_ =	strace $0x9FFFFFFF  }
0xc4: {  	(tm) =	ssettm $0x7FFFFFFF  }
0xc5: {  	_ =	shalt  }
tec
execute0_lowered:
.L_overlay_start_1:
0x0: {  	(tag) =	ssettag $0x1  }
0x1: {  	s0 =	rddreg [dreg:$0x0]  }
0x2: {  	s1 =	srdreg.scid;
	s4 =	rddreg [dreg:$0x1]  }
0x3: {  	s8 =	stileid.u32;
	s2 =	rddreg [dreg:$0x2]  }
0x4: {  	s13 =	simm.s32 $0x5;
	s14 =	simm.s32 $0x80;
	s15 =	simm.s32 $0x6400  }
0x5: {  	s16 =	simm.s32 $0x8400;
	s18 =	simm.s32 $0xA400;
	s20 =	simm.s32 $0xC400  }
0x6: {  	s22 =	simm.s32 $0xE400;
	s29 =	simm.s32 $0x14400;
	s30 =	simm.s32 $0x1  }
0x7: {  	s31 =	simm.s32 $0x3;
	s21 =	simm.s32 $0x2;
	s23 =	simm.s32 $0x4  }
0x8: {  	s17 =	simm.s32 $0x0;
	s1 =	sand.u32 $0x1, s1;
	s3 =	sshll.u32 s8, $0x1  }
0x9: {  	s8 =	smul.u32 $0x320000, s8;
	s4 =	sadd.s32 $0x800, s4;
	s5 =	sor.u32 s1, s3  }
0xa: {  	s3 =	simm.s32 $0x0;
	s24 =	ssub.s32 $0x2, s1;
	s1 =	smul.u32 $0x190000, s1  }
0xb: {  	s6 =	smul.u32 $0xC80, s5;
	[smem:$0x7FF] =	sst s3;
	s9 =	sshrl.u32 s24, $0x1  }
0xc: {  	s7 =	smul.u32 $0x190000, s5;
	_ =	strace $0x80000047;
	s9 =	ssub.s32 s24, s9  }
0xd: {  	s26 =	sadd.s32 s1, s8;
	s24 =	simm.s32 $0x10400;
	s0 =	sadd.s32 s0, s6  }
0xe: {  	s25 =	sshrl.u32 s7, $0x3;
	s6 =	smax.u32 s9, $0x1;
	s1 =	sadd.s32 $0x18000, s26  }
0xf: {  	s11 =	sadd.s32 $0x10000, s26;
	s26 =	simm.s32 $0x12400;
	s7 =	sadd.s32 s2, s25  }
0x10: {  	[dreg:$0x4] =	wrdreg s0;
	s28 =	sshrl.u32 s1, $0x3;
	s8 =	sadd.s32 $0x1000, s7  }
0x11: {  	s9 =	sadd.s32 $0x30000, s7;
	s10 =	sadd.s32 $0x31000, s7;
	s1 =	sadd.s32 s28, s2  }
.LBB2_1:
0x12: {  	s0 =	rddreg [dreg:$0x4]  }
0x13: {  	[tilespmem:s3], [sflag:$0x5] =	stream.linear.gather [hbm4b:s0+s3], $0x6400, $0x38;
	[tilespmem:$0x16400] =	vst v63  }
0x14: {  	_ =	swait.ge [sflag:s13], $0x6400  }
0x15: {  	[sflag:s13] =	ssyncset.done $0x0  }
0x16: {  	s19 =	simm.s32 $0x0;
	[sflag:s13] =	ssyncadd.s32 $0xFFFF9C00  }
0x17: {  	v0 =	vld [tilespmem:s19+$0x0]  }
0x18: {  	v1 =	vld [tilespmem:s19+$0x10];
	_ =	sdelay $0x3  }
0x19: {  	vm0 =	vgt.s32 v0, $0xC34FF;
	v2 =	vadd.s32 $0xFFF3CB00, v0  }
0x1a: {  	v0 =	vsel vm0, v2, v0;
	vm0 =	vgt.s32 v1, $0xC34FF;
	v2 =	vadd.s32 $0xFFF3CB00, v1  }
0x1b: {  	vm1 =	vgt.s32 v0, $0x61A7F;
	v3 =	vadd.s32 $0xFFF9E580, v0;
	v1 =	vsel vm0, v2, v1  }
0x1c: {  	v0 =	vsel vm1, v3, v0;
	vm0 =	vgt.s32 v1, $0x61A7F;
	v2 =	vadd.s32 $0xFFF9E580, v1;
	v3 =	vld [tilespmem:s19+$0x20]  }
0x1d: {  	vm1 =	vgt.s32 v0, $0x30D3F;
	v4 =	vadd.s32 $0xFFFCF2C0, v0;
	v1 =	vsel vm0, v2, v1;
	v2 =	vld [tilespmem:s19+$0x30]  }
0x1e: {  	v0 =	vsel vm1, v4, v0;
	vm0 =	vgt.s32 v1, $0x30D3F;
	v4 =	vadd.s32 $0xFFFCF2C0, v1  }
0x1f: {  	vm1 =	vgt.s32 v0, $0x1869F;
	v5 =	vadd.s32 $0xFFFE7960, v0;
	v4 =	vsel vm0, v4, v1  }
0x20: {  	v1 =	vsel vm1, v5, v0;
	vm0 =	vgt.s32 v4, $0x1869F;
	v0 =	vadd.s32 $0xFFFE7960, v4  }
0x21: {  	v0 =	vsel vm0, v0, v4;
	vm0 =	vgt.s32 v3, $0xC34FF;
	v4 =	vadd.s32 $0xFFF3CB00, v3  }
0x22: {  	v3 =	vsel vm0, v4, v3;
	vm0 =	vgt.s32 v2, $0xC34FF;
	v4 =	vadd.s32 $0xFFF3CB00, v2  }
0x23: {  	vm1 =	vgt.s32 v3, $0x61A7F;
	v5 =	vadd.s32 $0xFFF9E580, v3;
	v2 =	vsel vm0, v4, v2  }
0x24: {  	v3 =	vsel vm1, v5, v3;
	vm0 =	vgt.s32 v2, $0x61A7F;
	v4 =	vadd.s32 $0xFFF9E580, v2;
	v5 =	vld [tilespmem:s19+$0x40]  }
0x25: {  	vm1 =	vgt.s32 v3, $0x30D3F;
	v6 =	vadd.s32 $0xFFFCF2C0, v3;
	v2 =	vsel vm0, v4, v2;
	v4 =	vld [tilespmem:s19+$0x50]  }
0x26: {  	v3 =	vsel vm1, v6, v3;
	vm0 =	vgt.s32 v2, $0x30D3F;
	v6 =	vadd.s32 $0xFFFCF2C0, v2  }
0x27: {  	vm1 =	vgt.s32 v3, $0x1869F;
	v7 =	vadd.s32 $0xFFFE7960, v3;
	v2 =	vsel vm0, v6, v2  }
0x28: {  	v3 =	vsel vm1, v7, v3;
	vm0 =	vgt.s32 v2, $0x1869F;
	v6 =	vadd.s32 $0xFFFE7960, v2  }
0x29: {  	v2 =	vsel vm0, v6, v2;
	vm0 =	vgt.s32 v5, $0xC34FF;
	v6 =	vadd.s32 $0xFFF3CB00, v5  }
0x2a: {  	v5 =	vsel vm0, v6, v5;
	vm0 =	vgt.s32 v4, $0xC34FF;
	v6 =	vadd.s32 $0xFFF3CB00, v4  }
0x2b: {  	vm1 =	vgt.s32 v5, $0x61A7F;
	v7 =	vadd.s32 $0xFFF9E580, v5;
	v6 =	vsel vm0, v6, v4  }
0x2c: {  	s25 =	simm.s32 $0x200;
	v4 =	vld [tilespmem:s19+$0x60];
	v5 =	vsel vm1, v7, v5;
	vm0 =	vgt.s32 v6, $0x61A7F;
	v7 =	vadd.s32 $0xFFF9E580, v6  }
.LBB2_2:
0x2d: {  	p0 =	sne.s32 s25, $0x18E00;
	vm1 =	vgt.s32 v5, $0x30D3F;
	v8 =	vadd.s32 $0xFFFCF2C0, v5;
	v6 =	vsel vm0, v7, v6;
	v7 =	vld [tilespmem:s19+$0x70]  }
0x2e: {  	v5 =	vsel vm1, v8, v5;
	vm0 =	vgt.s32 v6, $0x30D3F;
	v8 =	vadd.s32 $0xFFFCF2C0, v6  }
0x2f: {  	vm1 =	vgt.s32 v5, $0x1869F;
	v9 =	vadd.s32 $0xFFFE7960, v5;
	v6 =	vsel vm0, v8, v6  }
0x30: {  	v5 =	vsel vm1, v9, v5;
	vm0 =	vgt.s32 v6, $0x1869F;
	v8 =	vadd.s32 $0xFFFE7960, v6  }
0x31: {  	v6 =	vsel vm0, v8, v6;
	vm0 =	vgt.s32 v4, $0xC34FF;
	v8 =	vadd.s32 $0xFFF3CB00, v4  }
0x32: {  	v4 =	vsel vm0, v8, v4;
	vm0 =	vgt.s32 v7, $0xC34FF;
	v8 =	vadd.s32 $0xFFF3CB00, v7  }
0x33: {  	s0 =	sshra.s32 s25, $0x2;
	[tilespmem:s19+$0x0] =	vst v1;
	vm1 =	vgt.s32 v4, $0x61A7F;
	v1 =	vadd.s32 $0xFFF9E580, v4;
	v7 =	vsel vm0, v8, v7  }
0x34: {  	v8 =	vld [tilespmem:s0+$0x0];
	[tilespmem:s19+$0x10] =	vst v0;
	v0 =	vsel vm1, v1, v4;
	vm0 =	vgt.s32 v7, $0x61A7F;
	v1 =	vadd.s32 $0xFFF9E580, v7  }
0x35: {  	v4 =	vld [tilespmem:s0+$0x10];
	[tilespmem:s19+$0x20] =	vst v3;
	vm1 =	vgt.s32 v0, $0x30D3F;
	v3 =	vadd.s32 $0xFFFCF2C0, v0;
	v1 =	vsel vm0, v1, v7  }
0x36: {  	[tilespmem:s19+$0x30] =	vst v2;
	v0 =	vsel vm1, v3, v0;
	vm0 =	vgt.s32 v1, $0x30D3F;
	v2 =	vadd.s32 $0xFFFCF2C0, v1  }
0x37: {  	[tilespmem:s19+$0x40] =	vst v5;
	vm1 =	vgt.s32 v0, $0x1869F;
	v3 =	vadd.s32 $0xFFFE7960, v0;
	v1 =	vsel vm0, v2, v1  }
0x38: {  	[tilespmem:s19+$0x50] =	vst v6;
	v0 =	vsel vm1, v3, v0;
	vm0 =	vgt.s32 v1, $0x1869F;
	v2 =	vadd.s32 $0xFFFE7960, v1  }
0x39: {  	vm1 =	vgt.s32 v8, $0xC34FF;
	v3 =	vadd.s32 $0xFFF3CB00, v8;
	[tilespmem:s19+$0x60] =	vst v0;
	v0 =	vsel vm0, v2, v1  }
0x3a: {  	v1 =	vsel vm1, v3, v8;
	vm0 =	vgt.s32 v4, $0xC34FF;
	v2 =	vadd.s32 $0xFFF3CB00, v4;
	[tilespmem:s19+$0x70] =	vst v0;
	s19 =	smov.u32 s0  }
0x3b: {  	vm1 =	vgt.s32 v1, $0x61A7F;
	v0 =	vadd.s32 $0xFFF9E580, v1;
	v2 =	vsel vm0, v2, v4  }
0x3c: {  	v0 =	vsel vm1, v0, v1;
	vm0 =	vgt.s32 v2, $0x61A7F;
	v1 =	vadd.s32 $0xFFF9E580, v2;
	v3 =	vld [tilespmem:s19+$0x20]  }
0x3d: {  	vm1 =	vgt.s32 v0, $0x30D3F;
	v4 =	vadd.s32 $0xFFFCF2C0, v0;
	v1 =	vsel vm0, v1, v2;
	v2 =	vld [tilespmem:s19+$0x30]  }
0x3e: {  	v0 =	vsel vm1, v4, v0;
	vm0 =	vgt.s32 v1, $0x30D3F;
	v4 =	vadd.s32 $0xFFFCF2C0, v1  }
0x3f: {  	vm1 =	vgt.s32 v0, $0x1869F;
	v5 =	vadd.s32 $0xFFFE7960, v0;
	v4 =	vsel vm0, v4, v1  }
0x40: {  	v1 =	vsel vm1, v5, v0;
	vm0 =	vgt.s32 v4, $0x1869F;
	v0 =	vadd.s32 $0xFFFE7960, v4  }
0x41: {  	v0 =	vsel vm0, v0, v4;
	vm0 =	vgt.s32 v3, $0xC34FF;
	v4 =	vadd.s32 $0xFFF3CB00, v3  }
0x42: {  	v3 =	vsel vm0, v4, v3;
	vm0 =	vgt.s32 v2, $0xC34FF;
	v4 =	vadd.s32 $0xFFF3CB00, v2  }
0x43: {  	vm1 =	vgt.s32 v3, $0x61A7F;
	v5 =	vadd.s32 $0xFFF9E580, v3;
	v2 =	vsel vm0, v4, v2  }
0x44: {  	v3 =	vsel vm1, v5, v3;
	vm0 =	vgt.s32 v2, $0x61A7F;
	v4 =	vadd.s32 $0xFFF9E580, v2;
	v5 =	vld [tilespmem:s19+$0x40]  }
0x45: {  	vm1 =	vgt.s32 v3, $0x30D3F;
	v6 =	vadd.s32 $0xFFFCF2C0, v3;
	v2 =	vsel vm0, v4, v2;
	v4 =	vld [tilespmem:s19+$0x50]  }
0x46: {  	v3 =	vsel vm1, v6, v3;
	vm0 =	vgt.s32 v2, $0x30D3F;
	v6 =	vadd.s32 $0xFFFCF2C0, v2  }
0x47: {  	vm1 =	vgt.s32 v3, $0x1869F;
	v7 =	vadd.s32 $0xFFFE7960, v3;
	v2 =	vsel vm0, v6, v2  }
.Ltmp0:
0x48: {  	v3 =	vsel vm1, v7, v3;
	vm0 =	vgt.s32 v2, $0x1869F;
	v6 =	vadd.s32 $0xFFFE7960, v2;
	(pc) =	sbr.rel @p0 .LBB2_2-.Ltmp0, $4  }
0x49: {  	v2 =	vsel vm0, v6, v2;
	vm0 =	vgt.s32 v5, $0xC34FF;
	v6 =	vadd.s32 $0xFFF3CB00, v5  }
0x4a: {  	v5 =	vsel vm0, v6, v5;
	vm0 =	vgt.s32 v4, $0xC34FF;
	v6 =	vadd.s32 $0xFFF3CB00, v4  }
0x4b: {  	vm1 =	vgt.s32 v5, $0x61A7F;
	v7 =	vadd.s32 $0xFFF9E580, v5;
	v6 =	vsel vm0, v6, v4  }
0x4c: {  	s25 =	sadd.s32 $0x200, s25;
	v5 =	vsel vm1, v7, v5;
	vm0 =	vgt.s32 v6, $0x61A7F;
	v7 =	vadd.s32 $0xFFF9E580, v6;
	v4 =	vld [tilespmem:s19+$0x60]  }
0x4d: {  	vm1 =	vgt.s32 v5, $0x30D3F;
	v8 =	vadd.s32 $0xFFFCF2C0, v5;
	v6 =	vsel vm0, v7, v6;
	v54 =	vld [tilespmem:s19+$0x70]  }
0x4e: {  	v5 =	vsel vm1, v8, v5;
	vm0 =	vgt.s32 v6, $0x30D3F;
	v55 =	vadd.s32 $0xFFFCF2C0, v6  }
0x4f: {  	vm1 =	vgt.s32 v5, $0x1869F;
	v9 =	vadd.s32 $0xFFFE7960, v5;
	v6 =	vsel vm0, v55, v6  }
0x50: {  	v5 =	vsel vm1, v9, v5;
	vm0 =	vgt.s32 v6, $0x1869F;
	v8 =	vadd.s32 $0xFFFE7960, v6  }
0x51: {  	v6 =	vsel vm0, v8, v6;
	vm13 =	vgt.s32 v4, $0xC34FF;
	v56 =	vadd.s32 $0xFFF3CB00, v4  }
0x52: {  	v4 =	vsel vm13, v56, v4;
	vm14 =	vgt.s32 v54, $0xC34FF;
	v57 =	vadd.s32 $0xFFF3CB00, v54  }
0x53: {  	[tilespmem:s19+$0x0] =	vst v1;
	vm15 =	vgt.s32 v4, $0x61A7F;
	v58 =	vadd.s32 $0xFFF9E580, v4;
	v7 =	vsel vm14, v57, v54  }
0x54: {  	[tilespmem:s19+$0x10] =	vst v0;
	v59 =	vsel vm15, v58, v4;
	vm0 =	vgt.s32 v7, $0x61A7F;
	v60 =	vadd.s32 $0xFFF9E580, v7  }
0x55: {  	[tilespmem:s19+$0x20] =	vst v3;
	vm1 =	vgt.s32 v59, $0x30D3F;
	v61 =	vadd.s32 $0xFFFCF2C0, v59;
	v1 =	vsel vm0, v60, v7  }
0x56: {  	[tilespmem:s19+$0x30] =	vst v2;
	v0 =	vsel vm1, v61, v59;
	vm0 =	vgt.s32 v1, $0x30D3F;
	v62 =	vadd.s32 $0xFFFCF2C0, v1  }
0x57: {  	[tilespmem:s19+$0x40] =	vst v5;
	vm1 =	vgt.s32 v0, $0x1869F;
	v3 =	vadd.s32 $0xFFFE7960, v0;
	v1 =	vsel vm0, v62, v1  }
0x58: {  	[tilespmem:s19+$0x50] =	vst v6;
	v0 =	vsel vm1, v3, v0;
	vm0 =	vgt.s32 v1, $0x1869F;
	v2 =	vadd.s32 $0xFFFE7960, v1  }
0x59: {  	[tilespmem:s19+$0x60] =	vst v0;
	v63 =	vsel vm0, v2, v1  }
0x5a: {  	s0 =	simm.s32 $0x0;
	[tilespmem:s19+$0x70] =	vst v63  }
0x5b: {  	[tilespmem:s15], [sflag:$0x1] =	stream.indirect.gather [hbm4b:s4+s14], $0x40, s0, s14, $0xb8;
	[tilespmem:$0x16400] =	vst v63  }
0x5c: {  	_ = 	snop  }
0x5d: {  	[tilespmem:s16], [sflag:$0x1] =	stream.indirect.gather [hbm4b:s4+s14], $0x40, s14, s14, $0xb8;
	[tilespmem:$0x16400] =	vst v63  }
0x5e: {  	s5 =	simm.s32 $0x100  }
0x5f: {  	[tilespmem:s18], [sflag:$0x1] =	stream.indirect.gather [hbm4b:s4+s14], $0x40, s5, s14, $0xb8;
	[tilespmem:$0x16400] =	vst v63  }
0x60: {  	s25 =	simm.s32 $0x180  }
0x61: {  	[tilespmem:s20], [sflag:$0x1] =	stream.indirect.gather [hbm4b:s4+s14], $0x40, s25, s14, $0xb8;
	[tilespmem:$0x16400] =	vst v63  }
0x62: {  	s12 =	simm.s32 $0x200  }
0x63: {  	[tilespmem:s22], [sflag:$0x2] =	stream.indirect.gather [hbm4b:s4+s14], $0x40, s12, s14, $0xb8;
	[tilespmem:$0x16400] =	vst v63  }
0x64: {  	s19 =	simm.s32 $0x280  }
0x65: {  	[tilespmem:s24], [sflag:$0x2] =	stream.indirect.gather [hbm4b:s4+s14], $0x40, s19, s14, $0xb8;
	[tilespmem:$0x16400] =	vst v63  }
0x66: {  	s25 =	simm.s32 $0x300  }
0x67: {  	[tilespmem:s26], [sflag:$0x2] =	stream.indirect.gather [hbm4b:s4+s14], $0x40, s25, s14, $0xb8;
	[tilespmem:$0x16400] =	vst v63  }
0x68: {  	s12 =	simm.s32 $0x380  }
0x69: {  	[tilespmem:s29], [sflag:$0x2] =	stream.indirect.gather [hbm4b:s4+s14], $0x40, s12, s14, $0xb8;
	[tilespmem:$0x16400] =	vst v63  }
0x6a: {  	_ =	swait.ge [sflag:s30], $0x2000  }
0x6b: {  	[sflag:s30] =	ssyncset.done $0x0  }
0x6c: {  	[sflag:s30] =	ssyncadd.s32 $0xFFFFE000  }
0x6d: {  	_ =	swait.ge [sflag:s30], $0x2000  }
0x6e: {  	[sflag:s30] =	ssyncset.done $0x0  }
0x6f: {  	[sflag:s30] =	ssyncadd.s32 $0xFFFFE000  }
0x70: {  	_ =	swait.ge [sflag:s30], $0x2000  }
0x71: {  	[sflag:s30] =	ssyncset.done $0x0  }
0x72: {  	[sflag:s30] =	ssyncadd.s32 $0xFFFFE000  }
0x73: {  	_ =	swait.ge [sflag:s30], $0x2000  }
0x74: {  	[sflag:s30] =	ssyncset.done $0x0  }
0x75: {  	[sflag:s30] =	ssyncadd.s32 $0xFFFFE000  }
0x76: {  	[hbm4b:s7+s0] =	stream.linear.scatter [tilespmem:s15], [sflag:$0x3], $0x8000, $0x38;
	[tilespmem:$0x16400] =	vst v63  }
0x77: {  	_ =	swait.ge [sflag:s31], $0x8000  }
0x78: {  	[sflag:s31] =	ssyncset.done $0x0  }
0x79: {  	s19 =	simm.s32 $0x400;
	[sflag:s31] =	ssyncadd.s32 $0xFFFF8000  }
0x7a: {  	[tilespmem:s15], [sflag:$0x1] =	stream.indirect.gather [hbm4b:s4+s14], $0x40, s19, s14, $0xb8;
	[tilespmem:$0x16400] =	vst v63  }
0x7b: {  	s25 =	simm.s32 $0x480  }
0x7c: {  	[tilespmem:s16], [sflag:$0x1] =	stream.indirect.gather [hbm4b:s4+s14], $0x40, s25, s14, $0xb8;
	[tilespmem:$0x16400] =	vst v63  }
0x7d: {  	s12 =	simm.s32 $0x500  }
0x7e: {  	[tilespmem:s18], [sflag:$0x1] =	stream.indirect.gather [hbm4b:s4+s14], $0x40, s12, s14, $0xb8;
	[tilespmem:$0x16400] =	vst v63  }
0x7f: {  	s19 =	simm.s32 $0x580  }
0x80: {  	[tilespmem:s20], [sflag:$0x1] =	stream.indirect.gather [hbm4b:s4+s14], $0x40, s19, s14, $0xb8;
	[tilespmem:$0x16400] =	vst v63  }
0x81: {  	_ =	swait.ge [sflag:s21], $0x2000  }
0x82: {  	[sflag:s21] =	ssyncset.done $0x0  }
0x83: {  	[sflag:s21] =	ssyncadd.s32 $0xFFFFE000  }
0x84: {  	_ =	swait.ge [sflag:s21], $0x2000  }
0x85: {  	[sflag:s21] =	ssyncset.done $0x0  }
0x86: {  	[sflag:s21] =	ssyncadd.s32 $0xFFFFE000  }
0x87: {  	_ =	swait.ge [sflag:s21], $0x2000  }
0x88: {  	[sflag:s21] =	ssyncset.done $0x0  }
0x89: {  	[sflag:s21] =	ssyncadd.s32 $0xFFFFE000  }
0x8a: {  	_ =	swait.ge [sflag:s21], $0x2000  }
0x8b: {  	[sflag:s21] =	ssyncset.done $0x0  }
0x8c: {  	[sflag:s21] =	ssyncadd.s32 $0xFFFFE000  }
0x8d: {  	[hbm4b:s8+s0] =	stream.linear.scatter [tilespmem:s22], [sflag:$0x4], $0x8000, $0x38;
	[tilespmem:$0x16400] =	vst v63  }
0x8e: {  	_ =	swait.ge [sflag:s23], $0x8000  }
0x8f: {  	[sflag:s23] =	ssyncset.done $0x0  }
0x90: {  	s25 =	simm.s32 $0x600;
	[sflag:s23] =	ssyncadd.s32 $0xFFFF8000  }
0x91: {  	[tilespmem:s22], [sflag:$0x2] =	stream.indirect.gather [hbm4b:s4+s14], $0x40, s25, s14, $0xb8;
	[tilespmem:$0x16400] =	vst v63  }
0x92: {  	s5 =	simm.s32 $0x680  }
0x93: {  	[tilespmem:s24], [sflag:$0x2] =	stream.indirect.gather [hbm4b:s4+s14], $0x40, s5, s14, $0xb8;
	[tilespmem:$0x16400] =	vst v63  }
0x94: {  	s12 =	simm.s32 $0x700  }
0x95: {  	[tilespmem:s26], [sflag:$0x2] =	stream.indirect.gather [hbm4b:s4+s14], $0x40, s12, s14, $0xb8;
	[tilespmem:$0x16400] =	vst v63  }
0x96: {  	s19 =	simm.s32 $0x780  }
0x97: {  	[tilespmem:s29], [sflag:$0x2] =	stream.indirect.gather [hbm4b:s4+s14], $0x40, s19, s14, $0xb8;
	[tilespmem:$0x16400] =	vst v63  }
0x98: {  	_ =	swait.ge [sflag:s30], $0x2000  }
0x99: {  	[sflag:s30] =	ssyncset.done $0x0  }
0x9a: {  	[sflag:s30] =	ssyncadd.s32 $0xFFFFE000  }
0x9b: {  	_ =	swait.ge [sflag:s30], $0x2000  }
0x9c: {  	[sflag:s30] =	ssyncset.done $0x0  }
0x9d: {  	[sflag:s30] =	ssyncadd.s32 $0xFFFFE000  }
0x9e: {  	_ =	swait.ge [sflag:s30], $0x2000  }
0x9f: {  	[sflag:s30] =	ssyncset.done $0x0  }
0xa0: {  	[sflag:s30] =	ssyncadd.s32 $0xFFFFE000  }
0xa1: {  	_ =	swait.ge [sflag:s30], $0x2000  }
0xa2: {  	s25 =	sshrl.u32 s11, $0x3;
	[sflag:s30] =	ssyncset.done $0x0  }
0xa3: {  	s0 =	sadd.s32 s2, s25;
	[sflag:s30] =	ssyncadd.s32 $0xFFFFE000  }
0xa4: {  	[hbm4b:s0+s3] =	stream.linear.scatter [tilespmem:s15], [sflag:$0x3], $0x8000, $0x38;
	[tilespmem:$0x16400] =	vst v63  }
0xa5: {  	_ =	swait.ge [sflag:s31], $0x8000  }
0xa6: {  	[sflag:s31] =	ssyncset.done $0x0  }
0xa7: {  	s5 =	simm.s32 $0x800;
	[sflag:s31] =	ssyncadd.s32 $0xFFFF8000  }
0xa8: {  	[tilespmem:s15], [sflag:$0x1] =	stream.indirect.gather [hbm4b:s4+s14], $0x40, s5, s14, $0xb8;
	[tilespmem:$0x16400] =	vst v63  }
0xa9: {  	s12 =	simm.s32 $0x880  }
0xaa: {  	[tilespmem:s16], [sflag:$0x1] =	stream.indirect.gather [hbm4b:s4+s14], $0x40, s12, s14, $0xb8;
	[tilespmem:$0x16400] =	vst v63  }
0xab: {  	s19 =	simm.s32 $0x900  }
0xac: {  	[tilespmem:s18], [sflag:$0x1] =	stream.indirect.gather [hbm4b:s4+s14], $0x40, s19, s14, $0xb8;
	[tilespmem:$0x16400] =	vst v63  }
0xad: {  	s25 =	simm.s32 $0x980  }
0xae: {  	[tilespmem:s20], [sflag:$0x1] =	stream.indirect.gather [hbm4b:s4+s14], $0x40, s25, s14, $0xb8;
	[tilespmem:$0x16400] =	vst v63  }
0xaf: {  	_ =	swait.ge [sflag:s21], $0x2000  }
0xb0: {  	[sflag:s21] =	ssyncset.done $0x0  }
0xb1: {  	[sflag:s21] =	ssyncadd.s32 $0xFFFFE000  }
0xb2: {  	_ =	swait.ge [sflag:s21], $0x2000  }
0xb3: {  	[sflag:s21] =	ssyncset.done $0x0  }
0xb4: {  	[sflag:s21] =	ssyncadd.s32 $0xFFFFE000  }
0xb5: {  	_ =	swait.ge [sflag:s21], $0x2000  }
0xb6: {  	[sflag:s21] =	ssyncset.done $0x0  }
0xb7: {  	[sflag:s21] =	ssyncadd.s32 $0xFFFFE000  }
0xb8: {  	_ =	swait.ge [sflag:s21], $0x2000  }
0xb9: {  	s28 =	sadd.s32 $0x2000, s1;
	s12 =	smov.u32 s1;
	[sflag:s21] =	ssyncset.done $0x0  }
0xba: {  	s19 =	simm.s32 $0x1000;
	s25 =	sadd.s32 $0x10000, s11;
	[sflag:s21] =	ssyncadd.s32 $0xFFFFE000  }
.LBB2_4:
0xbb: {  	[hbm4b:s12+s3] =	stream.linear.scatter [tilespmem:s22], [sflag:$0x4], $0x8000, $0x38;
	[tilespmem:$0x16400] =	vst v63  }
0xbc: {  	s0 =	smov.u32 s19;
	s12 =	smov.u32 s28  }
0xbd: {  	p0 =	sne.s32 s19, $0x16000;
	s19 =	sadd.s32 $0x1000, s19;
	_ =	swait.ge [sflag:s23], $0x8000  }
0xbe: {  	s0 =	sshra.s32 s0, $0x2;
	[sflag:s23] =	ssyncset.done $0x0  }
0xbf: {  	s5 =	sadd.s32 $0x600, s0;
	[sflag:s23] =	ssyncadd.s32 $0xFFFF8000  }
0xc0: {  	[tilespmem:s22], [sflag:$0x2] =	stream.indirect.gather [hbm4b:s4+s14], $0x40, s5, s14, $0xb8;
	[tilespmem:$0x16400] =	vst v63  }
0xc1: {  	s5 =	sadd.s32 $0x680, s0  }
0xc2: {  	[tilespmem:s24], [sflag:$0x2] =	stream.indirect.gather [hbm4b:s4+s14], $0x40, s5, s14, $0xb8;
	[tilespmem:$0x16400] =	vst v63  }
0xc3: {  	s5 =	sadd.s32 $0x700, s0  }
0xc4: {  	[tilespmem:s26], [sflag:$0x2] =	stream.indirect.gather [hbm4b:s4+s14], $0x40, s5, s14, $0xb8;
	[tilespmem:$0x16400] =	vst v63  }
0xc5: {  	s5 =	sadd.s32 $0x780, s0  }
0xc6: {  	[tilespmem:s29], [sflag:$0x2] =	stream.indirect.gather [hbm4b:s4+s14], $0x40, s5, s14, $0xb8;
	[tilespmem:$0x16400] =	vst v63  }
0xc7: {  	_ =	swait.ge [sflag:s30], $0x2000  }
0xc8: {  	[sflag:s30] =	ssyncset.done $0x0  }
0xc9: {  	[sflag:s30] =	ssyncadd.s32 $0xFFFFE000  }
0xca: {  	_ =	swait.ge [sflag:s30], $0x2000  }
0xcb: {  	[sflag:s30] =	ssyncset.done $0x0  }
0xcc: {  	[sflag:s30] =	ssyncadd.s32 $0xFFFFE000  }
0xcd: {  	_ =	swait.ge [sflag:s30], $0x2000  }
0xce: {  	[sflag:s30] =	ssyncset.done $0x0  }
0xcf: {  	[sflag:s30] =	ssyncadd.s32 $0xFFFFE000  }
0xd0: {  	_ =	swait.ge [sflag:s30], $0x2000  }
0xd1: {  	s5 =	sshrl.u32 s25, $0x3;
	[sflag:s30] =	ssyncset.done $0x0  }
0xd2: {  	s5 =	sadd.s32 s2, s5;
	[sflag:s30] =	ssyncadd.s32 $0xFFFFE000  }
0xd3: {  	[hbm4b:s5+s3] =	stream.linear.scatter [tilespmem:s15], [sflag:$0x3], $0x8000, $0x38;
	[tilespmem:$0x16400] =	vst v63  }
0xd4: {  	_ =	swait.ge [sflag:s31], $0x8000  }
0xd5: {  	[sflag:s31] =	ssyncset.done $0x0  }
0xd6: {  	s5 =	sadd.s32 $0x800, s0;
	[sflag:s31] =	ssyncadd.s32 $0xFFFF8000  }
0xd7: {  	[tilespmem:s15], [sflag:$0x1] =	stream.indirect.gather [hbm4b:s4+s14], $0x40, s5, s14, $0xb8;
	[tilespmem:$0x16400] =	vst v63  }
0xd8: {  	s5 =	sadd.s32 $0x880, s0  }
0xd9: {  	[tilespmem:s16], [sflag:$0x1] =	stream.indirect.gather [hbm4b:s4+s14], $0x40, s5, s14, $0xb8;
	[tilespmem:$0x16400] =	vst v63  }
0xda: {  	s5 =	sadd.s32 $0x900, s0  }
0xdb: {  	[tilespmem:s18], [sflag:$0x1] =	stream.indirect.gather [hbm4b:s4+s14], $0x40, s5, s14, $0xb8;
	[tilespmem:$0x16400] =	vst v63  }
0xdc: {  	s0 =	sadd.s32 $0x980, s0  }
0xdd: {  	[tilespmem:s20], [sflag:$0x1] =	stream.indirect.gather [hbm4b:s4+s14], $0x40, s0, s14, $0xb8;
	[tilespmem:$0x16400] =	vst v63  }
0xde: {  	_ =	swait.ge [sflag:s21], $0x2000  }
0xdf: {  	[sflag:s21] =	ssyncset.done $0x0  }
0xe0: {  	[sflag:s21] =	ssyncadd.s32 $0xFFFFE000  }
0xe1: {  	_ =	swait.ge [sflag:s21], $0x2000  }
0xe2: {  	[sflag:s21] =	ssyncset.done $0x0  }
0xe3: {  	[sflag:s21] =	ssyncadd.s32 $0xFFFFE000  }
0xe4: {  	_ =	swait.ge [sflag:s21], $0x2000  }
.Ltmp1:
0xe5: {  	[sflag:s21] =	ssyncset.done $0x0;
	(pc) =	sbr.rel @p0 .LBB2_4-.Ltmp1, $4  }
0xe6: {  	[sflag:s21] =	ssyncadd.s32 $0xFFFFE000  }
0xe7: {  	_ =	swait.ge [sflag:s21], $0x2000  }
0xe8: {  	[sflag:s21] =	ssyncset.done $0x0  }
0xe9: {  	s28 =	sadd.s32 $0x2000, s28;
	s25 =	sadd.s32 $0x10000, s25;
	[sflag:s21] =	ssyncadd.s32 $0xFFFFE000  }
0xea: {  	[hbm4b:s12+s3] =	stream.linear.scatter [tilespmem:s22], [sflag:$0x4], $0x8000, $0x38;
	[tilespmem:$0x16400] =	vst v63  }
0xeb: {  	_ =	swait.ge [sflag:s23], $0x8000  }
0xec: {  	[sflag:s23] =	ssyncset.done $0x0  }
0xed: {  	s0 =	simm.s32 $0x6200;
	[sflag:s23] =	ssyncadd.s32 $0xFFFF8000  }
0xee: {  	[tilespmem:s22], [sflag:$0x2] =	stream.indirect.gather [hbm4b:s4+s14], $0x40, s0, s14, $0xb8;
	[tilespmem:$0x16400] =	vst v63  }
0xef: {  	s19 =	simm.s32 $0x6280  }
0xf0: {  	[tilespmem:s24], [sflag:$0x2] =	stream.indirect.gather [hbm4b:s4+s14], $0x40, s19, s14, $0xb8;
	[tilespmem:$0x16400] =	vst v63  }
0xf1: {  	s25 =	simm.s32 $0x6300  }
0xf2: {  	[tilespmem:s26], [sflag:$0x2] =	stream.indirect.gather [hbm4b:s4+s14], $0x40, s25, s14, $0xb8;
	[tilespmem:$0x16400] =	vst v63  }
0xf3: {  	s28 =	simm.s32 $0x6380  }
0xf4: {  	[tilespmem:s29], [sflag:$0x2] =	stream.indirect.gather [hbm4b:s4+s14], $0x40, s28, s14, $0xb8;
	[tilespmem:$0x16400] =	vst v63  }
0xf5: {  	_ =	swait.ge [sflag:s30], $0x2000  }
0xf6: {  	[sflag:s30] =	ssyncset.done $0x0  }
0xf7: {  	[sflag:s30] =	ssyncadd.s32 $0xFFFFE000  }
0xf8: {  	_ =	swait.ge [sflag:s30], $0x2000  }
0xf9: {  	[sflag:s30] =	ssyncset.done $0x0  }
0xfa: {  	[sflag:s30] =	ssyncadd.s32 $0xFFFFE000  }
0xfb: {  	_ =	swait.ge [sflag:s30], $0x2000  }
0xfc: {  	[sflag:s30] =	ssyncset.done $0x0  }
0xfd: {  	[sflag:s30] =	ssyncadd.s32 $0xFFFFE000  }
0xfe: {  	_ =	swait.ge [sflag:s30], $0x2000  }
0xff: {  	[sflag:s30] =	ssyncset.done $0x0  }
0x100: {  	[sflag:s30] =	ssyncadd.s32 $0xFFFFE000  }
0x101: {  	[hbm4b:s9+s3] =	stream.linear.scatter [tilespmem:s15], [sflag:$0x3], $0x8000, $0x38;
	[tilespmem:$0x16400] =	vst v63  }
0x102: {  	_ =	swait.ge [sflag:s21], $0x2000  }
0x103: {  	[sflag:s21] =	ssyncset.done $0x0  }
0x104: {  	[sflag:s21] =	ssyncadd.s32 $0xFFFFE000  }
0x105: {  	_ =	swait.ge [sflag:s21], $0x2000  }
0x106: {  	[sflag:s21] =	ssyncset.done $0x0  }
0x107: {  	[sflag:s21] =	ssyncadd.s32 $0xFFFFE000  }
0x108: {  	_ =	swait.ge [sflag:s21], $0x2000  }
0x109: {  	[sflag:s21] =	ssyncset.done $0x0  }
0x10a: {  	[sflag:s21] =	ssyncadd.s32 $0xFFFFE000  }
0x10b: {  	_ =	swait.ge [sflag:s21], $0x2000  }
0x10c: {  	[sflag:s21] =	ssyncset.done $0x0  }
0x10d: {  	s17 =	sadd.s32 $0x1, s17;
	[sflag:s21] =	ssyncadd.s32 $0xFFFFE000  }
0x10e: {  	[hbm4b:s10+s3] =	stream.linear.scatter [tilespmem:s22], [sflag:$0x4], $0x8000, $0x38;
	[tilespmem:$0x16400] =	vst v63  }
0x10f: {  	p0 =	sne.s32 s17, s6;
	_ =	swait.ge [sflag:s31], $0x8000  }
.Ltmp2:
0x110: {  	[sflag:s31] =	ssyncset.done $0x0;
	(pc) =	sbr.rel @p0 .LBB2_1-.Ltmp2, $4  }
0x111: {  	[sflag:s31] =	ssyncadd.s32 $0xFFFF8000  }
0x112: {  	_ =	swait.ge [sflag:s23], $0x8000  }
0x113: {  	[sflag:s23] =	ssyncset.done $0x0  }
0x114: {  	[sflag:s23] =	ssyncadd.s32 $0xFFFF8000  }
0x115: {  	_ =	sfence.sel $0x180000  }
0x116: {  	[bflag:$0x0] =	sbarrier.arrive $0xFFFF  }
0x117: {  	_ =	strace $0x90000047  }
0x118: {  	s0 =	stileid.u32;
	[bflag:$0x2] =	sbarrier.arrive $0xFFFF  }
0x119: {  	p0 =	sne.s32 s0, $0x0;
	s0 =	rddreg [dreg:$0x3]  }
0x11a: {  	s0 =	sadd.s32 @!p0 $0x100000, s0  }
0x11b: {  	[sflag:s0] =	ssyncadd.tile.s32 @!p0 $0x1;
	_ =	shalt  }
.Lfunc_end2:
_tile_overlayer_lowered:
.L_overlay_start_2:
0x11c: {  	(tag) =	ssettag $0x2  }
0x11d: {  	s0 =	rddreg [dreg:$0x0];
	s2 =	stileid.u32  }
0x11e: {  	s1 =	rddreg [dreg:$0x1];
	p0 =	sne.s32 s2, $0x0  }
0x11f: {  	s3 =	rddreg [dreg:$0x2];
	[bflag:$0x3] =	sbarrier.arrive $0xFFFF;
	s2 =	simm.s32 @!p0 $0x1C05  }
0x120: {  	[timem:s3], [sflag:s2] =	dma.local @!p0 [hbm:s0], s1  }
0x121: {  	s0 =	simm.s32 @!p0 $0x5  }
0x122: {  	_ =	swait.ge @!p0 [sflag:s0], s1  }
0x123: {  	s1 =	ssub.s32 @!p0 $0x0, s1;
	[sflag:s0] =	ssyncset.done @!p0 $0x0  }
0x124: {  	[sflag:s0] =	ssyncadd.s32 @!p0 s1  }
0x125: {  	[bflag:$0x3] =	sbarrier.arrive $0xFFFF  }
0x126: {  	_ =	shalt  }

// kernel: sparse-core-data-format-call.cloned.1.call-start
scs
called_computation_lowered:
.L_overlay_start_0:
0x0: {  	s2 =	sld [smem:$0x3FD9]  }
0x1: {  	s3 =	sld [smem:$0x3FFE];
	_ =	sdelay $0x1  }
0x2: {  	s1 =	srdreg.scid  }
0x3: {  	s0 =	sand.u32 $0x1, s1  }
0x4: {  	s18 =	sshll.u32 s0, $0xA;
	s2 =	sadd.s32 s3, s2  }
0x5: {  	s2 =	sadd.s32 s2, s18  }
0x6: {  	[smem:$0x3FC6] =	sst s2  }
0x7: {  	_ = 	snop  }
0x8: {  	s2 =	sld [smem:$0x3FD0];
	(tm) =	ssettm $0x1  }
0x9: {  	s19 =	sld [smem:$0x3FFB];
	_ =	sdelay $0x3  }
0xa: {  	_ =	strace s19  }
0xb: {  	s3 =	sld [smem:$0x3FFC];
	_ =	sdelay $0x3  }
0xc: {  	_ =	strace s3  }
0xd: {  	s3 =	sld [smem:$0x3FFD];
	_ =	sdelay $0x3  }
0xe: {  	_ =	strace s3  }
0xf: {  	_ =	strace $0x8FFFFFFF  }
0x10: {  	s20 =	sld [smem:$0x3FDB];
	_ =	sdelay $0x1  }
0x11: {  	s4 =	simm.s32 $_scs_section_size  }
0x12: {  	s5 =	simm.s32 $_size__tile_overlayer_lowered;
	s6 =	simm.s32 $_tile_overlayer_lowered  }
0x13: {  	s23 =	simm.s32 $0x1BFF;
	s22 =	sshll.u32 s6, $0x1;
	s3 =	sadd.s32 s4, s20  }
0x14: {  	s7 =	simm.s32 $0x0;
	s21 =	sshll.u32 s5, $0x1;
	s5 =	sadd.s32 s22, s3  }
0x15: {  	[timem:s7], [sflag:s23] =	dma.local [hbm:s5], s21  }
0x16: {  	_ =	swait.ge [sflag:s23], s21  }
0x17: {  	s4 =	ssub.s32 $0x0, s21;
	[sflag:s23] =	ssyncset.done $0x0  }
0x18: {  	[sflag:s23] =	ssyncadd.s32 s4;
	_ =	sdelay $0x1  }
0x19: {  	s24 =	simm.s32 $0x1B8B  }
0x1a: {  	_ =	swait.ge [sflag:s24], $0x1  }
0x1b: {  	[sflag:s24] =	ssyncset.done $0x0  }
0x1c: {  	s26 =	simm.s32 $0x1B8E;
	s25 =	sld [smem:$0x3FFE];
	[sflag:s24] =	ssyncadd.s32 $0xFFFFFFFF  }
0x1d: {  	s27 =	simm.s32 $execute0_lowered;
	[smem:$0x3FD2] =	sst s26  }
0x1e: {  	s5 =	sshll.u32 s27, $0x1;
	_ =	strace $0x80000049;
	[dreg:$0x1] =	wrdreg $0xFFFFFFFF  }
0x1f: {  	s28 =	simm.s32 $_size_execute0_lowered;
	s3 =	sadd.s32 s3, s5;
	[dreg:$0x0] =	wrdreg $0x0  }
0x20: {  	s5 =	sshll.u32 s28, $0x1;
	[dreg:$0x2] =	wrdreg s3  }
0x21: {  	[dreg:$0x3] =	wrdreg s5  }
0x22: {  	[dreg:$0x4] =	wrdreg $0xC0  }
0x23: {  	_ =	task [dreg:s7], $0x5FFFF  }
0x24: {  	[dreg:$0x1] =	wrdreg $0xFFFFFFFF  }
0x25: {  	[dreg:$0x0] =	wrdreg $0x60  }
0x26: {  	[dreg:$0x2] =	wrdreg s25  }
0x27: {  	[dreg:$0x3] =	wrdreg s2  }
0x28: {  	[dreg:$0x4] =	wrdreg $0x9  }
0x29: {  	_ =	task.clear_ibuf [dreg:s7], $0x5FFFF;
	_ =	strace $0x90000049  }
0x2a: {  	s29 =	simm.s32 $0x9;
	_ =	strace $0x8000004B  }
0x2b: {  	_ =	swait.ge [sflag:s29], $0x1  }
0x2c: {  	[sflag:s29] =	ssyncadd.s32 $0xFFFFFFFF  }
0x2d: {  	_ =	strace $0x9000004B  }
0x2e: {  	_ =	sfence  }
0x2f: {  	s30 =	sld [smem:$0x0];
	_ =	sdelay $0x2  }
0x30: {  	s31 =	sshll.u32 s1, $0xD;
	s1 =	sshrl.u32 s1, $0x2  }
0x31: {  	s3 =	sand.u32 $0x4000, s31;
	s1 =	sadd.s32 s1, s30  }
0x32: {  	s0 =	sor.u32 s3, s0;
	s1 =	sshll.u32 s1, $0x11  }
0x33: {  	s0 =	sor.u32 s1, s0  }
0x34: {  	s0 =	sadd.s32 $0x8F2B, s0  }
0x35: {  	[sflag:s0] =	ssyncadd.remote.s32 $0x1  }
0x36: {  	_ =	sfence.sel $0xFFFF  }
0x37: {  	[dreg:$0x0] =	wrdreg $0xFFFFFFFF;
	(pc) =	sbr.abs _section_cstart, $3  }
0x38: {  	[dreg:$0x1] =	wrdreg $0xFFFFFFFF  }
0x39: {  	_ =	task.clear_ibuf [dreg:s7], $0x2FFFF;
	_ =	strace $0x9FFFFFFF  }
0x3a: {  	(tm) =	ssettm $0x7FFFFFFF  }
0x3b: {  	_ =	shalt  }
tec
execute0_lowered:
.L_overlay_start_1:
0x0: {  	(tag) =	ssettag $0x1  }
0x1: {  	s0 =	srdreg.scid  }
0x2: {  	s1 =	sshll.u32 s0, $0x4  }
0x3: {  	s4 =	rddreg [dreg:$0x0];
	s0 =	stileid.u32;
	s1 =	sand.u32 $0x10, s1  }
0x4: {  	s2 =	rddreg [dreg:$0x1];
	s7 =	simm.s32 $0x1;
	s1 =	sor.u32 s0, s1  }
0x5: {  	s8 =	simm.s32 $0x2;
	s11 =	simm.s32 $0x0;
	s3 =	sshll.u32 s1, $0x7  }
0x6: {  	s10 =	simm.s32 $0x0;
	s4 =	sadd.s32 $0x800, s4;
	s6 =	ssub.s32 $0xC8000, s3  }
.Ltmp0:
0x7: {  	s1 =	rddreg [dreg:$0x2];
	s5 =	sand.u32 $0xF80, s6;
	(pc) =	sbr.rel .LBB1_1-.Ltmp0, $4  }
0x8: {  	_ =	strace $0x8000004A;
	s9 =	smov.u32 s3;
	p0 =	sne.s32 s5, $0x0  }
0x9: {  	s6 =	sshrl.u32 s6, $0xC;
	s5 =	simm.s32 $0x1;
	s7 =	simm.s32 @!p0 $0x0  }
0xa: {  	[sflag:s5] =	ssyncpa.u1 $0x0;
	p0 =	por $0x0, $0x0;
	s6 =	sadd.s32 s7, s6  }
0xb: {  	[sflag:s8] =	ssyncpa.u1 $0x0;
	s8 =	simm.s32 $0x640000;
	s7 =	sadd.s32 $0x1, s6  }
.LBB1_4:
0xc: {  	s14 =	sshll.u32 s11, $0x3  }
0xd: {  	s30 =	sand.u32 $0x7F, s11;
	s15 =	sand.u32 $0xFFFFFC00, s14  }
0xe: {  	s11 =	sor.u32 s30, s15  }
0xf: {  	s15 =	smulhi.u32 $0x51EB851F, s11  }
0x10: {  	s14 =	smulhi.u32 $0x51EB851F, s14  }
0x11: {  	s15 =	sshrl.u32 s15, $0x12  }
0x12: {  	s14 =	sshrl.u32 s14, $0x12;
	s15 =	smul.u32 $0xC8000, s15  }
0x13: {  	s14 =	sand.u32 $0x3F, s14  }
0x14: {  	s14 =	smul.u32 $0x19000, s14;
	s11 =	ssub.s32 s11, s15  }
0x15: {  	[tilespmem:s13+$0x810 ss:$0x81] =	vst.msk $0xffff, v2;
	s15 =	sand.u32 $0x7, s11  }
0x16: {  	[tilespmem:s13+$0x1020 ss:$0x81] =	vst.msk $0xffff, v0;
	s14 =	sadd.s32 s2, s14;
	s11 =	sshrl.u32 s11, $0x3;
	s15 =	sshll.u32 s15, $0x12  }
0x17: {  	[tilespmem:s13+$0x0 ss:$0x81] =	vst.msk $0xffff, v1;
	s11 =	sadd.s32 s11, s14;
	s31 =	sor.u32 $0x400, s15  }
0x18: {  	[hbm4b:s11+s31] =	stream.strided.scatter [tilespmem:s12], [sflag:$0x2], $0x2000, s8, s31, $0x20;
	[tilespmem:$0x8080] =	vst v63  }
.LBB1_5:
0x19: {  	s13 =	sadd.s32 $0x1000, s9  }
0x1a: {  	p2 =	sgt.s32 s13, $0xC7FFF  }
0x1b: {  	s13 =	smov.u32 @p2 s3;
	p2 =	sne.s32 s10, s7  }
.Ltmp1:
0x1c: {  	p1 =	slt.u32 s10, $0x2;
	(pc) =	sbr.rel @!p2 .LBB1_6-.Ltmp1, $4  }
0x1d: {  	s12 =	simm.s32 @!p1 $0x2  }
0x1e: {  	s14 =	sadd.s32 $0x1, s10;
	_ =	swait.ge @!p1 [sflag:s12], $0x2000  }
0x1f: {  	s11 =	smov.u32 s9;
	p0 =	por !p0, !p0;
	[sflag:s12] =	ssyncset.done @!p1 $0x0  }
0x20: {  	s10 =	smov.u32 s14;
	s9 =	smov.u32 s13;
	[sflag:s12] =	ssyncadd.s32 @!p1 $0xFFFFE000  }
.LBB1_1:
0x21: {  	p1 =	sge.u32 s10, s6  }
0x22: {  	s12 =	sand.u32 @!p1 $0x1FFFFFF, s9  }
0x23: {  	s13 =	smulhi.u32 @!p1 $0x147AE15, s12;
	_ =	sdelay $0x1  }
0x24: {  	s13 =	sshrl.u32 @!p1 s13, $0xC  }
0x25: {  	s13 =	smul.u32 @!p1 $0xC8000, s13;
	_ =	sdelay $0x1  }
0x26: {  	s31 =	sadd.s32 $0xFFFFFFFF, s10;
	s14 =	sxor.u32 @!p1 $0xFFFFFFFF, s10;
	s12 =	ssub.s32 @!p1 s12, s13  }
0x27: {  	s15 =	simm.s32 @!p1 $0x80;
	s14 =	sshll.u32 @!p1 s14, $0xD;
	s12 =	sshll.u32 @!p1 s12, $0x4  }
0x28: {  	s13 =	sand.u32 @!p1 $0x2000, s14;
	s14 =	simm.s32 @!p1 $0x40;
	s12 =	sadd.s32 @!p1 s4, s12  }
0x29: {  	[tilespmem:s13], [sflag:$0x1] =	stream.strided.gather @!p1 [hbm4b:s12+s14], $0x2000, s15, s14, $0x38;
	[tilespmem:$0x8080] =	vst v63  }
0x2a: {  	p1 =	sge.u32 s31, s6  }
.Ltmp2:
0x2b: {  	_ = 	snop;
	(pc) =	sbr.rel @p1 .LBB1_5-.Ltmp2, $1  }
0x2c: {  	_ =	sdelay $0x3  }
0x2d: {  	s12 =	simm.s32 $0x1  }
0x2e: {  	_ =	swait.ge [sflag:s5], $0x2000;
	s12 =	simm.s32 @!p0 $0x0  }
0x2f: {  	[sflag:s5] =	ssyncset.done $0x0;
	s13 =	sshll.u32 s12, $0xD  }
0x30: {  	[sflag:s5] =	ssyncadd.s32 $0xFFFFE000;
	s16 =	sor.u32 $0x20, s13  }
0x31: {  	s12 =	smul.u32 $0x8100, s12;
	v3 =	vld [tilespmem:s16+$0x10]  }
0x32: {  	s30 =	sand.u32 $0x1, s10;
	v2 =	vld [tilespmem:s16+$0xFFFFFFF0]  }
0x33: {  	s13 =	smul.u32 $0x8100, s30;
	s12 =	sshrl.u32 s12, $0x2;
	v0 =	vld [tilespmem:s16+$0x0]  }
0x34: {  	v1 =	vld [tilespmem:s16+$0xFFFFFFE0];
	s14 =	sor.u32 $0x4000, s12  }
0x35: {  	s31 =	sshrl.u32 s13, $0x2;
	s13 =	sadd.s32 $0x0, s14  }
0x36: {  	s15 =	simm.s32 $0x4;
	s16 =	sadd.s32 $0x40, s16;
	s12 =	sor.u32 $0x4000, s31;
	[tilespmem:s13+$0x1830 ss:$0x81] =	vst.msk $0xffff, v3  }
.LBB1_3:
0x37: {  	v3 =	vld [tilespmem:s16+$0x10];
	p1 =	sne.s32 s15, $0x1FC;
	[tilespmem:s13+$0x810 ss:$0x81] =	vst.msk $0xffff, v2;
	s17 =	smov.u32 s15;
	s15 =	sadd.s32 $0x4, s15  }
.Ltmp3:
0x38: {  	v2 =	vld [tilespmem:s16+$0xFFFFFFF0];
	[tilespmem:s13+$0x1020 ss:$0x81] =	vst.msk $0xffff, v0;
	(pc) =	sbr.rel @p1 .LBB1_3-.Ltmp3, $4  }
0x39: {  	v0 =	vld [tilespmem:s16+$0x0];
	[tilespmem:s13+$0x0 ss:$0x81] =	vst.msk $0xffff, v1  }
0x3a: {  	s13 =	sshra.s32 s17, $0x2;
	v1 =	vld [tilespmem:s16+$0xFFFFFFE0]  }
0x3b: {  	s13 =	sadd.s32 s13, s14  }
0x3c: {  	s16 =	sadd.s32 $0x40, s16;
	[tilespmem:s13+$0x1830 ss:$0x81] =	vst.msk $0xffff, v3  }
.Ltmp4:
0x3d: {  	_ = 	snop;
	(pc) =	sbr.rel .LBB1_4-.Ltmp4, $1  }
0x3e: {  	_ =	sdelay $0x3  }
.LBB1_6:
0x3f: {  	_ =	sfence.sel $0x180000  }
0x40: {  	s2 =	simm.s32 $0x1;
	[bflag:$0x0] =	sbarrier.arrive $0xFFFF  }
0x41: {  	s31 =	simm.s32 $0x2;
	[sflag:s2] =	ssyncpa.u1 $0x1  }
0x42: {  	[sflag:s31] =	ssyncpa.u1 $0x1  }
0x43: {  	p0 =	sne.s32 s0, $0x0;
	_ =	strace $0x9000004A  }
0x44: {  	s0 =	sadd.s32 @!p0 $0x100000, s1;
	[bflag:$0x2] =	sbarrier.arrive $0xFFFF  }
0x45: {  	[sflag:s0] =	ssyncadd.tile.s32 @!p0 $0x1;
	_ =	shalt  }
.Lfunc_end1:
_tile_overlayer_lowered:
.L_overlay_start_2:
0x46: {  	(tag) =	ssettag $0x2  }
0x47: {  	s0 =	rddreg [dreg:$0x0];
	s2 =	stileid.u32  }
0x48: {  	s1 =	rddreg [dreg:$0x1];
	p0 =	sne.s32 s2, $0x0  }
0x49: {  	s3 =	rddreg [dreg:$0x2];
	[bflag:$0x3] =	sbarrier.arrive $0xFFFF;
	s2 =	simm.s32 @!p0 $0x1C01  }
0x4a: {  	[timem:s3], [sflag:s2] =	dma.local @!p0 [hbm:s0], s1  }
0x4b: {  	s0 =	simm.s32 @!p0 $0x1  }
0x4c: {  	_ =	swait.ge @!p0 [sflag:s0], s1  }
0x4d: {  	s1 =	ssub.s32 @!p0 $0x0, s1;
	[sflag:s0] =	ssyncset.done @!p0 $0x0  }
0x4e: {  	[sflag:s0] =	ssyncadd.s32 @!p0 s1  }
0x4f: {  	[bflag:$0x3] =	sbarrier.arrive $0xFFFF  }
0x50: {  	_ =	shalt  }

</sc_bundles>
